<compile_context>
chip_gen: v7x
topology: tpu7x:2x2x1
jax: 0.10.2.dev20260603
libtpu: 0.0.44.dev20260713+nightly
codegen_flags: <defaults>
</compile_context>

<pallas_src>
import functools

import jax
import jax.numpy as jnp
from jax import lax
from jax.experimental import pallas as pl
from jax.experimental.pallas import tpu as pltpu
from jax.experimental.pallas import tpu_sc as plsc

_NC = 2
_NS = 16
_NW = _NC * _NS
_LANES = 16
_VPAD = 1024


def _pack_and_score_body(lo_ref, hi_ref, emb_ref, w_ref, out_ref, s_ref, *,
                         inv_len):
    out_ref[...] = lo_ref[...] | (hi_ref[...] << 16)

    @pl.when(pl.program_id(0) == 0)
    def _():
        s_ref[...] = jnp.zeros_like(s_ref)
        e = emb_ref[...]
        w = w_ref[...]
        s_ref[0 : e.shape[0], :] = (
            jnp.sum(e * w, axis=1, keepdims=True) * inv_len)


def _make_sc_pool(B, S):
    H = B // 2
    R = H // _NW
    C = 64
    NCH = R // C
    U = 8
    mesh = plsc.VectorSubcoreMesh(core_axis_name="c", subcore_axis_name="s")

    @functools.partial(
        pl.kernel,
        mesh=mesh,
        out_type=jax.ShapeDtypeStruct((B,), jnp.float32),
        scratch_types=[
            pltpu.VMEM((C, S), jnp.int32),
            pltpu.VMEM((C, S), jnp.int32),
            pltpu.VMEM((_VPAD,), jnp.float32),
            pltpu.VMEM((_LANES,), jnp.float32),
            pltpu.VMEM((2 * R,), jnp.float32),
            pltpu.SemaphoreType.DMA,
            pltpu.SemaphoreType.DMA,
        ],
        compiler_params=pltpu.CompilerParams(needs_layout_passes=False),
    )
    def sc_pool(x_hbm, s_hbm, b_hbm, out_hbm, x_v0, x_v1, s_v, b_v, out_v,
                sem0, sem1):
        wid = lax.axis_index("s") * _NC + lax.axis_index("c")
        base = wid * R
        bufs = (x_v0, x_v1)
        sems = (sem0, sem1)
        pending = {0: pltpu.async_copy(x_hbm.at[pl.ds(base, C)], x_v0, sem0)}
        pltpu.sync_copy(s_hbm, s_v)
        pltpu.sync_copy(b_hbm, b_v)
        lane = lax.iota(jnp.int32, _LANES)
        bv = b_v[...]

        for k in range(NCH):
            if k + 1 < NCH:
                pending[k + 1] = pltpu.async_copy(
                    x_hbm.at[pl.ds(base + (k + 1) * C, C)],
                    bufs[(k + 1) % 2], sems[(k + 1) % 2])
            pending.pop(k).wait()
            x_v = bufs[k % 2]

            def group(g, _, x_v=x_v, k=k):
                rows = lane + g * _LANES

                def step(t, carry):
                    acc0, acc1, col = carry
                    parts0 = []
                    parts1 = []
                    for u in range(U):
                        xw = plsc.load_gather(x_v, [rows, col + u])
                        loi = xw & 0xFFFF
                        hii = lax.shift_right_logical(xw, 16)
                        parts0.append(plsc.load_gather(s_v, [loi]))
                        parts1.append(plsc.load_gather(s_v, [hii]))

                    def tree(ps):
                        while len(ps) > 1:
                            ps = [a + c for a, c in zip(ps[::2], ps[1::2])]
                        return ps[0]

                    acc0 = acc0 + tree(parts0)
                    acc1 = acc1 + tree(parts1)
                    col = col + U
                    col = jnp.where(col >= S, col - S, col)
                    return acc0, acc1, col

                zero = jnp.zeros((_LANES,), jnp.float32)
                col0 = lane * U
                acc0, acc1, _ = lax.fori_loop(0, S // U, step,
                                              (zero, zero, col0))
                off = k * C + g * _LANES
                out_v[pl.ds(off, _LANES)] = 1.0 / (1.0 + jnp.exp(-(acc0 + bv)))
                out_v[pl.ds(R + off, _LANES)] = (
                    1.0 / (1.0 + jnp.exp(-(acc1 + bv))))
                return 0

            lax.fori_loop(0, C // _LANES, group, 0)

        pltpu.sync_copy(out_v.at[pl.ds(0, R)], out_hbm.at[pl.ds(base, R)])
        pltpu.sync_copy(out_v.at[pl.ds(R, R)],
                        out_hbm.at[pl.ds(H + base, R)])

    return sc_pool


def kernel(x, emb, W, b):
    B, S = x.shape
    V, D = emb.shape
    b16 = jnp.broadcast_to(b.astype(jnp.float32), (_LANES,))
    BLK = 512
    H = B // 2
    xi = x.astype(jnp.int32)
    xp, s2d = pl.pallas_call(
        functools.partial(_pack_and_score_body, inv_len=1.0 / S),
        grid=(H // BLK,),
        in_specs=[
            pl.BlockSpec((BLK, S), lambda i: (i, 0)),
            pl.BlockSpec((BLK, S), lambda i, n=H // BLK: (i + n, 0)),
            pl.BlockSpec((V, D), lambda i: (0, 0)),
            pl.BlockSpec((1, D), lambda i: (0, 0)),
        ],
        out_specs=[pl.BlockSpec((BLK, S), lambda i: (i, 0)),
                   pl.BlockSpec((_VPAD, 1), lambda i: (0, 0))],
        out_shape=[jax.ShapeDtypeStruct((H, S), jnp.int32),
                   jax.ShapeDtypeStruct((_VPAD, 1), jnp.float32)],
    )(xi, xi, emb, W)
    s_flat = s2d.reshape(_VPAD)
    out_flat = _make_sc_pool(B, S)(xp, s_flat, b16)
    return out_flat.reshape(B, 1)

# --- scband reference (transcript-rebuilt; emitter-appended) ---
"""Pipeline reference for scband-embed-classifier-87488483820264 (READ-ONLY COPY).

The authoritative reference and input builder live on the scoring server;
editing this copy changes nothing except your own understanding.
"""

import jax, jax.numpy as jnp
import numpy as np

VOCAB = 1000
EMBED_DIM = 100
BATCH = 16384
SEQ = 200

def setup_inputs(seed: int = 0) -> dict:
    key = jax.random.key(seed)
    k1, k2, k3, k4 = jax.random.split(key, 4)
    x = jax.random.randint(k1, (BATCH, SEQ), 0, VOCAB, dtype=jnp.int64 if jax.config.jax_enable_x64 else jnp.int32)
    emb = jax.random.normal(k2, (VOCAB, EMBED_DIM), dtype=jnp.float32)
    # nn.Linear(100, 1): weight [1, 100], bias [1]
    W = jax.random.normal(k3, (1, EMBED_DIM), dtype=jnp.float32) * (1.0 / np.sqrt(EMBED_DIM))
    b = jax.random.normal(k4, (1,), dtype=jnp.float32) * (1.0 / np.sqrt(EMBED_DIM))
    return {"x": x, "emb": emb, "W": W, "b": b}

def reference(x, emb, W, b):
    # format_input: x is already a padded [B, L] matrix -> lengths are all L
    lengths = jnp.full((x.shape[0], 1), float(x.shape[1]), dtype=jnp.float32)
    e = jnp.take(emb, x, axis=0)            # [B, L, D] embedding gather
    pooled = jnp.sum(e, axis=1) / lengths    # mean pooling over sequence
    logits = pooled @ W.T + b                # Linear(100, 1)
    return jax.nn.sigmoid(logits)

if __name__ == "__main__":
    import jax
    _d = setup_inputs()
    print(jax.jit(kernel)(*tuple(_d.values())))

</pallas_src>

<mosaic_0001>
#map = affine_map<(d0, d1) -> (0, 0)>
#map1 = affine_map<(d0, d1) -> (0)>
module attributes {stable_mosaic.version = 14 : i64} {
  func.func @sc_pool(%arg0: i32, %arg1: i32, %arg2: memref<8192x200xi32, #tpu.memory_space<hbm>>, %arg3: memref<1024xf32, #tpu.memory_space<hbm>>, %arg4: memref<16xf32, #tpu.memory_space<hbm>>, %arg5: memref<16384xf32, #tpu.memory_space<hbm>>, %arg6: memref<64x200xi32, #tpu.memory_space<vmem>>, %arg7: memref<64x200xi32, #tpu.memory_space<vmem>>, %arg8: memref<1024xf32, #tpu.memory_space<vmem>>, %arg9: memref<16xf32, #tpu.memory_space<vmem>>, %arg10: memref<512xf32, #tpu.memory_space<vmem>>, %arg11: memref<!tpu.dma_semaphore, #tpu.memory_space<semaphore_mem>>, %arg12: memref<!tpu.dma_semaphore, #tpu.memory_space<semaphore_mem>>) attributes {dimension_semantics = [#tpu.dimension_semantics<core_parallel>, #tpu.dimension_semantics<subcore_parallel>], iteration_bounds = array<i64: 2, 16>, scalar_prefetch = 0 : i64, scratch_operands = 7 : i64, tpu.core_type = #tpu.core_type<sc_vector_subcore>, window_params = [{transform_indices = #map}, {transform_indices = #map1}, {transform_indices = #map1}, {transform_indices = #map1}]} {
    %mul3A = arith.constant 2 : i32
    %mul3A_0 = arith.muli %arg1, %mul3A : i32
    %add3A = arith.addi %mul3A_0, %arg0 : i32
    %mul3A_1 = arith.constant 256 : i32
    %mul3A_2 = arith.muli %add3A, %mul3A_1 : i32
    %dma_start3A = arith.constant 0 : i32
    %dma_start3A_3 = tpu.memref_slice %arg2[%mul3A_2, %dma_start3A] : memref<8192x200xi32, #tpu.memory_space<hbm>> -> memref<64x200xi32, #tpu.memory_space<hbm>>
    %dma_start3A_4 = arith.constant 0 : i32
    %dma_start3A_5 = tpu.memref_slice %arg2[%mul3A_2, %dma_start3A_4] : memref<8192x200xi32, #tpu.memory_space<hbm>> -> memref<64x200xi32, #tpu.memory_space<hbm>>
    tpu.enqueue_dma source(%dma_start3A_5 : memref<64x200xi32, #tpu.memory_space<hbm>>) target(%arg6 : memref<64x200xi32, #tpu.memory_space<vmem>>) target_semaphore(%arg11 : memref<!tpu.dma_semaphore, #tpu.memory_space<semaphore_mem>>)
    "tpu.region"() ({
      %run_scoped3A = tpu.sem_alloc : memref<!tpu.dma_semaphore, #tpu.memory_space<semaphore_mem>>
      tpu.enqueue_dma source(%arg3 : memref<1024xf32, #tpu.memory_space<hbm>>) target(%arg8 : memref<1024xf32, #tpu.memory_space<vmem>>) target_semaphore(%run_scoped3A : memref<!tpu.dma_semaphore, #tpu.memory_space<semaphore_mem>>)
      tpu.wait_dma2 semaphore(%run_scoped3A : memref<!tpu.dma_semaphore, #tpu.memory_space<semaphore_mem>>) src(%arg3 : memref<1024xf32, #tpu.memory_space<hbm>>) dst(%arg8 : memref<1024xf32, #tpu.memory_space<vmem>>)
      tpu.yield
    }) : () -> ()
    "tpu.region"() ({
      %run_scoped3A = tpu.sem_alloc : memref<!tpu.dma_semaphore, #tpu.memory_space<semaphore_mem>>
      tpu.enqueue_dma source(%arg4 : memref<16xf32, #tpu.memory_space<hbm>>) target(%arg9 : memref<16xf32, #tpu.memory_space<vmem>>) target_semaphore(%run_scoped3A : memref<!tpu.dma_semaphore, #tpu.memory_space<semaphore_mem>>)
      tpu.wait_dma2 semaphore(%run_scoped3A : memref<!tpu.dma_semaphore, #tpu.memory_space<semaphore_mem>>) src(%arg4 : memref<16xf32, #tpu.memory_space<hbm>>) dst(%arg9 : memref<16xf32, #tpu.memory_space<vmem>>)
      tpu.yield
    }) : () -> ()
    %iota3A = tpu.iota {dimensions = array<i32: 0>} : vector<16xi32>
    %get3A = arith.constant 0 : index
    %get3A_6 = tpu.vector_load %arg9[%get3A] {strides = array<i32>} : memref<16xf32, #tpu.memory_space<vmem>>, vector<16xf32>,
    %add3A_7 = arith.constant 64 : i32
    %add3A_8 = arith.addi %mul3A_2, %add3A_7 : i32
    %dma_start3A_9 = arith.constant 0 : i32
    %dma_start3A_10 = tpu.memref_slice %arg2[%add3A_8, %dma_start3A_9] : memref<8192x200xi32, #tpu.memory_space<hbm>> -> memref<64x200xi32, #tpu.memory_space<hbm>>
    %dma_start3A_11 = arith.constant 0 : i32
    %dma_start3A_12 = tpu.memref_slice %arg2[%add3A_8, %dma_start3A_11] : memref<8192x200xi32, #tpu.memory_space<hbm>> -> memref<64x200xi32, #tpu.memory_space<hbm>>
    tpu.enqueue_dma source(%dma_start3A_12 : memref<64x200xi32, #tpu.memory_space<hbm>>) target(%arg7 : memref<64x200xi32, #tpu.memory_space<vmem>>) target_semaphore(%arg12 : memref<!tpu.dma_semaphore, #tpu.memory_space<semaphore_mem>>)
    %dma_wait3A = arith.constant 0 : i32
    %dma_wait3A_13 = tpu.memref_slice %arg2[%mul3A_2, %dma_wait3A] : memref<8192x200xi32, #tpu.memory_space<hbm>> -> memref<64x200xi32, #tpu.memory_space<hbm>>
    %dma_wait3A_14 = arith.constant 0 : i32
    %dma_wait3A_15 = tpu.memref_slice %arg2[%mul3A_2, %dma_wait3A_14] : memref<8192x200xi32, #tpu.memory_space<hbm>> -> memref<64x200xi32, #tpu.memory_space<hbm>>
    tpu.wait_dma2 semaphore(%arg11 : memref<!tpu.dma_semaphore, #tpu.memory_space<semaphore_mem>>) src(%dma_wait3A_15 : memref<64x200xi32, #tpu.memory_space<hbm>>) dst(%arg6 : memref<64x200xi32, #tpu.memory_space<vmem>>)
    %scan3A = arith.constant 0 : i32
    %scan3A_16 = arith.constant 0 : i32
    %scan3A_17 = arith.constant 4 : i32
    %scan3A_18 = arith.addi %scan3A_16, %scan3A_17 : i32
    %scan3A_19 = arith.constant 1 : i32
    %scan3A_20 = scf.for %scan3A_69 = %scan3A_16 to %scan3A_18 step %scan3A_19 iter_args(%scan3A_70 = %scan3A) -> (i32)  : i32 {
      %mul3A_71 = arith.constant 16 : i32
      %mul3A_72 = arith.muli %scan3A_69, %mul3A_71 : i32
      %add3A_73 = vector.broadcast %mul3A_72 : i32 to vector<16xi32>
      %add3A_74 = arith.addi %iota3A, %add3A_73 : vector<16xi32>
      %broadcast_in_dim3A = arith.constant 0.000000e+00 : f32
      %broadcast_in_dim3A_75 = vector.broadcast %broadcast_in_dim3A : f32 to vector<16xf32>
      %mul3A_76 = arith.constant 8 : i32
      %mul3A_77 = vector.broadcast %mul3A_76 : i32 to vector<16xi32>
      %mul3A_78 = arith.muli %iota3A, %mul3A_77 : vector<16xi32>
      %scan3A_79 = arith.constant 0 : i32
      %scan3A_80 = arith.constant 25 : i32
      %scan3A_81 = arith.addi %scan3A_79, %scan3A_80 : i32
      %scan3A_82 = arith.constant 1 : i32
      %scan3A_83:3 = scf.for %scan3A_114 = %scan3A_79 to %scan3A_81 step %scan3A_82 iter_args(%scan3A_115 = %broadcast_in_dim3A_75, %scan3A_116 = %broadcast_in_dim3A_75, %scan3A_117 = %mul3A_78) -> (vector<16xf32>, vector<16xf32>, vector<16xi32>)  : i32 {
        %add3A_118 = arith.constant 0 : i32
        %add3A_119 = vector.broadcast %add3A_118 : i32 to vector<16xi32>
        %add3A_120 = arith.addi %scan3A_117, %add3A_119 : vector<16xi32>
        %gather3A = tpu.vector_load_idx %arg6[%add3A_74, %add3A_120] : memref<64x200xi32, #tpu.memory_space<vmem>>[vector<16xi32>, vector<16xi32>], vector<16xi32>,
        %and3A = arith.constant 65535 : i32
        %and3A_121 = vector.broadcast %and3A : i32 to vector<16xi32>
        %and3A_122 = arith.andi %gather3A, %and3A_121 : vector<16xi32>
        %shift_right_logical3A = arith.constant 16 : i32
        %shift_right_logical3A_123 = vector.broadcast %shift_right_logical3A : i32 to vector<16xi32>
        %shift_right_logical3A_124 = arith.shrui %gather3A, %shift_right_logical3A_123 : vector<16xi32>
        %gather3A_125 = tpu.vector_load_idx %arg8[%and3A_122] : memref<1024xf32, #tpu.memory_space<vmem>>[vector<16xi32>], vector<16xf32>,
        %gather3A_126 = tpu.vector_load_idx %arg8[%shift_right_logical3A_124] : memref<1024xf32, #tpu.memory_space<vmem>>[vector<16xi32>], vector<16xf32>,
        %add3A_127 = arith.constant 1 : i32
        %add3A_128 = vector.broadcast %add3A_127 : i32 to vector<16xi32>
        %add3A_129 = arith.addi %scan3A_117, %add3A_128 : vector<16xi32>
        %gather3A_130 = tpu.vector_load_idx %arg6[%add3A_74, %add3A_129] : memref<64x200xi32, #tpu.memory_space<vmem>>[vector<16xi32>, vector<16xi32>], vector<16xi32>,
        %and3A_131 = arith.constant 65535 : i32
        %and3A_132 = vector.broadcast %and3A_131 : i32 to vector<16xi32>
        %and3A_133 = arith.andi %gather3A_130, %and3A_132 : vector<16xi32>
        %shift_right_logical3A_134 = arith.constant 16 : i32
        %shift_right_logical3A_135 = vector.broadcast %shift_right_logical3A_134 : i32 to vector<16xi32>
        %shift_right_logical3A_136 = arith.shrui %gather3A_130, %shift_right_logical3A_135 : vector<16xi32>
        %gather3A_137 = tpu.vector_load_idx %arg8[%and3A_133] : memref<1024xf32, #tpu.memory_space<vmem>>[vector<16xi32>], vector<16xf32>,
        %gather3A_138 = tpu.vector_load_idx %arg8[%shift_right_logical3A_136] : memref<1024xf32, #tpu.memory_space<vmem>>[vector<16xi32>], vector<16xf32>,
        %add3A_139 = arith.constant 2 : i32
        %add3A_140 = vector.broadcast %add3A_139 : i32 to vector<16xi32>
        %add3A_141 = arith.addi %scan3A_117, %add3A_140 : vector<16xi32>
        %gather3A_142 = tpu.vector_load_idx %arg6[%add3A_74, %add3A_141] : memref<64x200xi32, #tpu.memory_space<vmem>>[vector<16xi32>, vector<16xi32>], vector<16xi32>,
        %and3A_143 = arith.constant 65535 : i32
        %and3A_144 = vector.broadcast %and3A_143 : i32 to vector<16xi32>
        %and3A_145 = arith.andi %gather3A_142, %and3A_144 : vector<16xi32>
        %shift_right_logical3A_146 = arith.constant 16 : i32
        %shift_right_logical3A_147 = vector.broadcast %shift_right_logical3A_146 : i32 to vector<16xi32>
        %shift_right_logical3A_148 = arith.shrui %gather3A_142, %shift_right_logical3A_147 : vector<16xi32>
        %gather3A_149 = tpu.vector_load_idx %arg8[%and3A_145] : memref<1024xf32, #tpu.memory_space<vmem>>[vector<16xi32>], vector<16xf32>,
        %gather3A_150 = tpu.vector_load_idx %arg8[%shift_right_logical3A_148] : memref<1024xf32, #tpu.memory_space<vmem>>[vector<16xi32>], vector<16xf32>,
        %add3A_151 = arith.constant 3 : i32
        %add3A_152 = vector.broadcast %add3A_151 : i32 to vector<16xi32>
        %add3A_153 = arith.addi %scan3A_117, %add3A_152 : vector<16xi32>
        %gather3A_154 = tpu.vector_load_idx %arg6[%add3A_74, %add3A_153] : memref<64x200xi32, #tpu.memory_space<vmem>>[vector<16xi32>, vector<16xi32>], vector<16xi32>,
        %and3A_155 = arith.constant 65535 : i32
        %and3A_156 = vector.broadcast %and3A_155 : i32 to vector<16xi32>
        %and3A_157 = arith.andi %gather3A_154, %and3A_156 : vector<16xi32>
        %shift_right_logical3A_158 = arith.constant 16 : i32
        %shift_right_logical3A_159 = vector.broadcast %shift_right_logical3A_158 : i32 to vector<16xi32>
        %shift_right_logical3A_160 = arith.shrui %gather3A_154, %shift_right_logical3A_159 : vector<16xi32>
        %gather3A_161 = tpu.vector_load_idx %arg8[%and3A_157] : memref<1024xf32, #tpu.memory_space<vmem>>[vector<16xi32>], vector<16xf32>,
        %gather3A_162 = tpu.vector_load_idx %arg8[%shift_right_logical3A_160] : memref<1024xf32, #tpu.memory_space<vmem>>[vector<16xi32>], vector<16xf32>,
        %add3A_163 = arith.constant 4 : i32
        %add3A_164 = vector.broadcast %add3A_163 : i32 to vector<16xi32>
        %add3A_165 = arith.addi %scan3A_117, %add3A_164 : vector<16xi32>
        %gather3A_166 = tpu.vector_load_idx %arg6[%add3A_74, %add3A_165] : memref<64x200xi32, #tpu.memory_space<vmem>>[vector<16xi32>, vector<16xi32>], vector<16xi32>,
        %and3A_167 = arith.constant 65535 : i32
        %and3A_168 = vector.broadcast %and3A_167 : i32 to vector<16xi32>
        %and3A_169 = arith.andi %gather3A_166, %and3A_168 : vector<16xi32>
        %shift_right_logical3A_170 = arith.constant 16 : i32
        %shift_right_logical3A_171 = vector.broadcast %shift_right_logical3A_170 : i32 to vector<16xi32>
        %shift_right_logical3A_172 = arith.shrui %gather3A_166, %shift_right_logical3A_171 : vector<16xi32>
        %gather3A_173 = tpu.vector_load_idx %arg8[%and3A_169] : memref<1024xf32, #tpu.memory_space<vmem>>[vector<16xi32>], vector<16xf32>,
        %gather3A_174 = tpu.vector_load_idx %arg8[%shift_right_logical3A_172] : memref<1024xf32, #tpu.memory_space<vmem>>[vector<16xi32>], vector<16xf32>,
        %add3A_175 = arith.constant 5 : i32
        %add3A_176 = vector.broadcast %add3A_175 : i32 to vector<16xi32>
        %add3A_177 = arith.addi %scan3A_117, %add3A_176 : vector<16xi32>
        %gather3A_178 = tpu.vector_load_idx %arg6[%add3A_74, %add3A_177] : memref<64x200xi32, #tpu.memory_space<vmem>>[vector<16xi32>, vector<16xi32>], vector<16xi32>,
        %and3A_179 = arith.constant 65535 : i32
        %and3A_180 = vector.broadcast %and3A_179 : i32 to vector<16xi32>
        %and3A_181 = arith.andi %gather3A_178, %and3A_180 : vector<16xi32>
        %shift_right_logical3A_182 = arith.constant 16 : i32
        %shift_right_logical3A_183 = vector.broadcast %shift_right_logical3A_182 : i32 to vector<16xi32>
        %shift_right_logical3A_184 = arith.shrui %gather3A_178, %shift_right_logical3A_183 : vector<16xi32>
        %gather3A_185 = tpu.vector_load_idx %arg8[%and3A_181] : memref<1024xf32, #tpu.memory_space<vmem>>[vector<16xi32>], vector<16xf32>,
        %gather3A_186 = tpu.vector_load_idx %arg8[%shift_right_logical3A_184] : memref<1024xf32, #tpu.memory_space<vmem>>[vector<16xi32>], vector<16xf32>,
        %add3A_187 = arith.constant 6 : i32
        %add3A_188 = vector.broadcast %add3A_187 : i32 to vector<16xi32>
        %add3A_189 = arith.addi %scan3A_117, %add3A_188 : vector<16xi32>
        %gather3A_190 = tpu.vector_load_idx %arg6[%add3A_74, %add3A_189] : memref<64x200xi32, #tpu.memory_space<vmem>>[vector<16xi32>, vector<16xi32>], vector<16xi32>,
        %and3A_191 = arith.constant 65535 : i32
        %and3A_192 = vector.broadcast %and3A_191 : i32 to vector<16xi32>
        %and3A_193 = arith.andi %gather3A_190, %and3A_192 : vector<16xi32>
        %shift_right_logical3A_194 = arith.constant 16 : i32
        %shift_right_logical3A_195 = vector.broadcast %shift_right_logical3A_194 : i32 to vector<16xi32>
        %shift_right_logical3A_196 = arith.shrui %gather3A_190, %shift_right_logical3A_195 : vector<16xi32>
        %gather3A_197 = tpu.vector_load_idx %arg8[%and3A_193] : memref<1024xf32, #tpu.memory_space<vmem>>[vector<16xi32>], vector<16xf32>,
        %gather3A_198 = tpu.vector_load_idx %arg8[%shift_right_logical3A_196] : memref<1024xf32, #tpu.memory_space<vmem>>[vector<16xi32>], vector<16xf32>,
        %add3A_199 = arith.constant 7 : i32
        %add3A_200 = vector.broadcast %add3A_199 : i32 to vector<16xi32>
        %add3A_201 = arith.addi %scan3A_117, %add3A_200 : vector<16xi32>
        %gather3A_202 = tpu.vector_load_idx %arg6[%add3A_74, %add3A_201] : memref<64x200xi32, #tpu.memory_space<vmem>>[vector<16xi32>, vector<16xi32>], vector<16xi32>,
        %and3A_203 = arith.constant 65535 : i32
        %and3A_204 = vector.broadcast %and3A_203 : i32 to vector<16xi32>
        %and3A_205 = arith.andi %gather3A_202, %and3A_204 : vector<16xi32>
        %shift_right_logical3A_206 = arith.constant 16 : i32
        %shift_right_logical3A_207 = vector.broadcast %shift_right_logical3A_206 : i32 to vector<16xi32>
        %shift_right_logical3A_208 = arith.shrui %gather3A_202, %shift_right_logical3A_207 : vector<16xi32>
        %gather3A_209 = tpu.vector_load_idx %arg8[%and3A_205] : memref<1024xf32, #tpu.memory_space<vmem>>[vector<16xi32>], vector<16xf32>,
        %gather3A_210 = tpu.vector_load_idx %arg8[%shift_right_logical3A_208] : memref<1024xf32, #tpu.memory_space<vmem>>[vector<16xi32>], vector<16xf32>,
        %add3A_211 = arith.addf %gather3A_125, %gather3A_137 : vector<16xf32>
        %add3A_212 = arith.addf %gather3A_149, %gather3A_161 : vector<16xf32>
        %add3A_213 = arith.addf %gather3A_173, %gather3A_185 : vector<16xf32>
        %add3A_214 = arith.addf %gather3A_197, %gather3A_209 : vector<16xf32>
        %add3A_215 = arith.addf %add3A_211, %add3A_212 : vector<16xf32>
        %add3A_216 = arith.addf %add3A_213, %add3A_214 : vector<16xf32>
        %add3A_217 = arith.addf %add3A_215, %add3A_216 : vector<16xf32>
        %add3A_218 = arith.addf %scan3A_115, %add3A_217 : vector<16xf32>
        %add3A_219 = arith.addf %gather3A_126, %gather3A_138 : vector<16xf32>
        %add3A_220 = arith.addf %gather3A_150, %gather3A_162 : vector<16xf32>
        %add3A_221 = arith.addf %gather3A_174, %gather3A_186 : vector<16xf32>
        %add3A_222 = arith.addf %gather3A_198, %gather3A_210 : vector<16xf32>
        %add3A_223 = arith.addf %add3A_219, %add3A_220 : vector<16xf32>
        %add3A_224 = arith.addf %add3A_221, %add3A_222 : vector<16xf32>
        %add3A_225 = arith.addf %add3A_223, %add3A_224 : vector<16xf32>
        %add3A_226 = arith.addf %scan3A_116, %add3A_225 : vector<16xf32>
        %add3A_227 = arith.constant 8 : i32
        %add3A_228 = vector.broadcast %add3A_227 : i32 to vector<16xi32>
        %add3A_229 = arith.addi %scan3A_117, %add3A_228 : vector<16xi32>
        %ge3A = arith.constant 200 : i32
        %ge3A_230 = vector.broadcast %ge3A : i32 to vector<16xi32>
        %ge3A_231 = arith.cmpi sge, %add3A_229, %ge3A_230 : vector<16xi32>
        %sub3A = arith.constant 200 : i32
        %sub3A_232 = vector.broadcast %sub3A : i32 to vector<16xi32>
        %sub3A_233 = arith.subi %add3A_229, %sub3A_232 : vector<16xi32>
        %select_n3A = arith.select %ge3A_231, %sub3A_233, %add3A_229 : vector<16xi1>, vector<16xi32>
        scf.yield %add3A_218, %add3A_226, %select_n3A : vector<16xf32>, vector<16xf32>, vector<16xi32>
      }
      %scan3A_84 = arith.constant 25 : i32
      %mul3A_85 = arith.constant 16 : i32
      %mul3A_86 = arith.muli %scan3A_69, %mul3A_85 : i32
      %add3A_87 = arith.constant 0 : i32
      %add3A_88 = arith.addi %add3A_87, %mul3A_86 : i32
      %add3A_89 = arith.addf %scan3A_83#0, %get3A_6 : vector<16xf32>
      %neg3A = arith.constant 0.000000e+00 : f32
      %neg3A_90 = vector.broadcast %neg3A : f32 to vector<16xf32>
      %neg3A_91 = arith.subf %neg3A_90, %add3A_89 : vector<16xf32>
      %exp3A = math.exp %neg3A_91 : vector<16xf32>
      %add3A_92 = arith.constant 1.000000e+00 : f32
      %add3A_93 = vector.broadcast %add3A_92 : f32 to vector<16xf32>
      %add3A_94 = arith.addf %add3A_93, %exp3A : vector<16xf32>
      %div3A = arith.constant 1.000000e+00 : f32
      %div3A_95 = vector.broadcast %div3A : f32 to vector<16xf32>
      %div3A_96 = arith.divf %div3A_95, %add3A_94 : vector<16xf32>
      %swap3A = arith.index_cast %add3A_88 : i32 to index
      %swap3A_97 = tpu.vector_load %arg10[%swap3A] {strides = array<i32>} : memref<512xf32, #tpu.memory_space<vmem>>, vector<16xf32>,
      tpu.vector_store %arg10[%swap3A], %div3A_96 {strides = array<i32>} : memref<512xf32, #tpu.memory_space<vmem>>, vector<16xf32>,
      %add3A_98 = arith.addf %scan3A_83#1, %get3A_6 : vector<16xf32>
      %neg3A_99 = arith.constant 0.000000e+00 : f32
      %neg3A_100 = vector.broadcast %neg3A_99 : f32 to vector<16xf32>
      %neg3A_101 = arith.subf %neg3A_100, %add3A_98 : vector<16xf32>
      %exp3A_102 = math.exp %neg3A_101 : vector<16xf32>
      %add3A_103 = arith.constant 1.000000e+00 : f32
      %add3A_104 = vector.broadcast %add3A_103 : f32 to vector<16xf32>
      %add3A_105 = arith.addf %add3A_104, %exp3A_102 : vector<16xf32>
      %div3A_106 = arith.constant 1.000000e+00 : f32
      %div3A_107 = vector.broadcast %div3A_106 : f32 to vector<16xf32>
      %div3A_108 = arith.divf %div3A_107, %add3A_105 : vector<16xf32>
      %add3A_109 = arith.constant 256 : i32
      %add3A_110 = arith.addi %add3A_109, %add3A_88 : i32
      %swap3A_111 = arith.index_cast %add3A_110 : i32 to index
      %swap3A_112 = tpu.vector_load %arg10[%swap3A_111] {strides = array<i32>} : memref<512xf32, #tpu.memory_space<vmem>>, vector<16xf32>,
      tpu.vector_store %arg10[%swap3A_111], %div3A_108 {strides = array<i32>} : memref<512xf32, #tpu.memory_space<vmem>>, vector<16xf32>,
      %scan3A_113 = arith.constant 0 : i32
      scf.yield %scan3A_113 : i32
    }
    %scan3A_21 = arith.constant 4 : i32
    %add3A_22 = arith.constant 128 : i32
    %add3A_23 = arith.addi %mul3A_2, %add3A_22 : i32
    %dma_start3A_24 = arith.constant 0 : i32
    %dma_start3A_25 = tpu.memref_slice %arg2[%add3A_23, %dma_start3A_24] : memref<8192x200xi32, #tpu.memory_space<hbm>> -> memref<64x200xi32, #tpu.memory_space<hbm>>
    %dma_start3A_26 = arith.constant 0 : i32
    %dma_start3A_27 = tpu.memref_slice %arg2[%add3A_23, %dma_start3A_26] : memref<8192x200xi32, #tpu.memory_space<hbm>> -> memref<64x200xi32, #tpu.memory_space<hbm>>
    tpu.enqueue_dma source(%dma_start3A_27 : memref<64x200xi32, #tpu.memory_space<hbm>>) target(%arg6 : memref<64x200xi32, #tpu.memory_space<vmem>>) target_semaphore(%arg11 : memref<!tpu.dma_semaphore, #tpu.memory_space<semaphore_mem>>)
    %dma_wait3A_28 = arith.constant 0 : i32
    %dma_wait3A_29 = tpu.memref_slice %arg2[%add3A_8, %dma_wait3A_28] : memref<8192x200xi32, #tpu.memory_space<hbm>> -> memref<64x200xi32, #tpu.memory_space<hbm>>
    %dma_wait3A_30 = arith.constant 0 : i32
    %dma_wait3A_31 = tpu.memref_slice %arg2[%add3A_8, %dma_wait3A_30] : memref<8192x200xi32, #tpu.memory_space<hbm>> -> memref<64x200xi32, #tpu.memory_space<hbm>>
    tpu.wait_dma2 semaphore(%arg12 : memref<!tpu.dma_semaphore, #tpu.memory_space<semaphore_mem>>) src(%dma_wait3A_31 : memref<64x200xi32, #tpu.memory_space<hbm>>) dst(%arg7 : memref<64x200xi32, #tpu.memory_space<vmem>>)
    %scan3A_32 = arith.constant 0 : i32
    %scan3A_33 = arith.constant 0 : i32
    %scan3A_34 = arith.constant 4 : i32
    %scan3A_35 = arith.addi %scan3A_33, %scan3A_34 : i32
    %scan3A_36 = arith.constant 1 : i32
    %scan3A_37 = scf.for %scan3A_69 = %scan3A_33 to %scan3A_35 step %scan3A_36 iter_args(%scan3A_70 = %scan3A_32) -> (i32)  : i32 {
      %mul3A_71 = arith.constant 16 : i32
      %mul3A_72 = arith.muli %scan3A_69, %mul3A_71 : i32
      %add3A_73 = vector.broadcast %mul3A_72 : i32 to vector<16xi32>
      %add3A_74 = arith.addi %iota3A, %add3A_73 : vector<16xi32>
      %broadcast_in_dim3A = arith.constant 0.000000e+00 : f32
      %broadcast_in_dim3A_75 = vector.broadcast %broadcast_in_dim3A : f32 to vector<16xf32>
      %mul3A_76 = arith.constant 8 : i32
      %mul3A_77 = vector.broadcast %mul3A_76 : i32 to vector<16xi32>
      %mul3A_78 = arith.muli %iota3A, %mul3A_77 : vector<16xi32>
      %scan3A_79 = arith.constant 0 : i32
      %scan3A_80 = arith.constant 25 : i32
      %scan3A_81 = arith.addi %scan3A_79, %scan3A_80 : i32
      %scan3A_82 = arith.constant 1 : i32
      %scan3A_83:3 = scf.for %scan3A_114 = %scan3A_79 to %scan3A_81 step %scan3A_82 iter_args(%scan3A_115 = %broadcast_in_dim3A_75, %scan3A_116 = %broadcast_in_dim3A_75, %scan3A_117 = %mul3A_78) -> (vector<16xf32>, vector<16xf32>, vector<16xi32>)  : i32 {
        %add3A_118 = arith.constant 0 : i32
        %add3A_119 = vector.broadcast %add3A_118 : i32 to vector<16xi32>
        %add3A_120 = arith.addi %scan3A_117, %add3A_119 : vector<16xi32>
        %gather3A = tpu.vector_load_idx %arg7[%add3A_74, %add3A_120] : memref<64x200xi32, #tpu.memory_space<vmem>>[vector<16xi32>, vector<16xi32>], vector<16xi32>,
        %and3A = arith.constant 65535 : i32
        %and3A_121 = vector.broadcast %and3A : i32 to vector<16xi32>
        %and3A_122 = arith.andi %gather3A, %and3A_121 : vector<16xi32>
        %shift_right_logical3A = arith.constant 16 : i32
        %shift_right_logical3A_123 = vector.broadcast %shift_right_logical3A : i32 to vector<16xi32>
        %shift_right_logical3A_124 = arith.shrui %gather3A, %shift_right_logical3A_123 : vector<16xi32>
        %gather3A_125 = tpu.vector_load_idx %arg8[%and3A_122] : memref<1024xf32, #tpu.memory_space<vmem>>[vector<16xi32>], vector<16xf32>,
        %gather3A_126 = tpu.vector_load_idx %arg8[%shift_right_logical3A_124] : memref<1024xf32, #tpu.memory_space<vmem>>[vector<16xi32>], vector<16xf32>,
        %add3A_127 = arith.constant 1 : i32
        %add3A_128 = vector.broadcast %add3A_127 : i32 to vector<16xi32>
        %add3A_129 = arith.addi %scan3A_117, %add3A_128 : vector<16xi32>
        %gather3A_130 = tpu.vector_load_idx %arg7[%add3A_74, %add3A_129] : memref<64x200xi32, #tpu.memory_space<vmem>>[vector<16xi32>, vector<16xi32>], vector<16xi32>,
        %and3A_131 = arith.constant 65535 : i32
        %and3A_132 = vector.broadcast %and3A_131 : i32 to vector<16xi32>
        %and3A_133 = arith.andi %gather3A_130, %and3A_132 : vector<16xi32>
        %shift_right_logical3A_134 = arith.constant 16 : i32
        %shift_right_logical3A_135 = vector.broadcast %shift_right_logical3A_134 : i32 to vector<16xi32>
        %shift_right_logical3A_136 = arith.shrui %gather3A_130, %shift_right_logical3A_135 : vector<16xi32>
        %gather3A_137 = tpu.vector_load_idx %arg8[%and3A_133] : memref<1024xf32, #tpu.memory_space<vmem>>[vector<16xi32>], vector<16xf32>,
        %gather3A_138 = tpu.vector_load_idx %arg8[%shift_right_logical3A_136] : memref<1024xf32, #tpu.memory_space<vmem>>[vector<16xi32>], vector<16xf32>,
        %add3A_139 = arith.constant 2 : i32
        %add3A_140 = vector.broadcast %add3A_139 : i32 to vector<16xi32>
        %add3A_141 = arith.addi %scan3A_117, %add3A_140 : vector<16xi32>
        %gather3A_142 = tpu.vector_load_idx %arg7[%add3A_74, %add3A_141] : memref<64x200xi32, #tpu.memory_space<vmem>>[vector<16xi32>, vector<16xi32>], vector<16xi32>,
        %and3A_143 = arith.constant 65535 : i32
        %and3A_144 = vector.broadcast %and3A_143 : i32 to vector<16xi32>
        %and3A_145 = arith.andi %gather3A_142, %and3A_144 : vector<16xi32>
        %shift_right_logical3A_146 = arith.constant 16 : i32
        %shift_right_logical3A_147 = vector.broadcast %shift_right_logical3A_146 : i32 to vector<16xi32>
        %shift_right_logical3A_148 = arith.shrui %gather3A_142, %shift_right_logical3A_147 : vector<16xi32>
        %gather3A_149 = tpu.vector_load_idx %arg8[%and3A_145] : memref<1024xf32, #tpu.memory_space<vmem>>[vector<16xi32>], vector<16xf32>,
        %gather3A_150 = tpu.vector_load_idx %arg8[%shift_right_logical3A_148] : memref<1024xf32, #tpu.memory_space<vmem>>[vector<16xi32>], vector<16xf32>,
        %add3A_151 = arith.constant 3 : i32
        %add3A_152 = vector.broadcast %add3A_151 : i32 to vector<16xi32>
        %add3A_153 = arith.addi %scan3A_117, %add3A_152 : vector<16xi32>
        %gather3A_154 = tpu.vector_load_idx %arg7[%add3A_74, %add3A_153] : memref<64x200xi32, #tpu.memory_space<vmem>>[vector<16xi32>, vector<16xi32>], vector<16xi32>,
        %and3A_155 = arith.constant 65535 : i32
        %and3A_156 = vector.broadcast %and3A_155 : i32 to vector<16xi32>
        %and3A_157 = arith.andi %gather3A_154, %and3A_156 : vector<16xi32>
        %shift_right_logical3A_158 = arith.constant 16 : i32
        %shift_right_logical3A_159 = vector.broadcast %shift_right_logical3A_158 : i32 to vector<16xi32>
        %shift_right_logical3A_160 = arith.shrui %gather3A_154, %shift_right_logical3A_159 : vector<16xi32>
        %gather3A_161 = tpu.vector_load_idx %arg8[%and3A_157] : memref<1024xf32, #tpu.memory_space<vmem>>[vector<16xi32>], vector<16xf32>,
        %gather3A_162 = tpu.vector_load_idx %arg8[%shift_right_logical3A_160] : memref<1024xf32, #tpu.memory_space<vmem>>[vector<16xi32>], vector<16xf32>,
        %add3A_163 = arith.constant 4 : i32
        %add3A_164 = vector.broadcast %add3A_163 : i32 to vector<16xi32>
        %add3A_165 = arith.addi %scan3A_117, %add3A_164 : vector<16xi32>
        %gather3A_166 = tpu.vector_load_idx %arg7[%add3A_74, %add3A_165] : memref<64x200xi32, #tpu.memory_space<vmem>>[vector<16xi32>, vector<16xi32>], vector<16xi32>,
        %and3A_167 = arith.constant 65535 : i32
        %and3A_168 = vector.broadcast %and3A_167 : i32 to vector<16xi32>
        %and3A_169 = arith.andi %gather3A_166, %and3A_168 : vector<16xi32>
        %shift_right_logical3A_170 = arith.constant 16 : i32
        %shift_right_logical3A_171 = vector.broadcast %shift_right_logical3A_170 : i32 to vector<16xi32>
        %shift_right_logical3A_172 = arith.shrui %gather3A_166, %shift_right_logical3A_171 : vector<16xi32>
        %gather3A_173 = tpu.vector_load_idx %arg8[%and3A_169] : memref<1024xf32, #tpu.memory_space<vmem>>[vector<16xi32>], vector<16xf32>,
        %gather3A_174 = tpu.vector_load_idx %arg8[%shift_right_logical3A_172] : memref<1024xf32, #tpu.memory_space<vmem>>[vector<16xi32>], vector<16xf32>,
        %add3A_175 = arith.constant 5 : i32
        %add3A_176 = vector.broadcast %add3A_175 : i32 to vector<16xi32>
        %add3A_177 = arith.addi %scan3A_117, %add3A_176 : vector<16xi32>
        %gather3A_178 = tpu.vector_load_idx %arg7[%add3A_74, %add3A_177] : memref<64x200xi32, #tpu.memory_space<vmem>>[vector<16xi32>, vector<16xi32>], vector<16xi32>,
        %and3A_179 = arith.constant 65535 : i32
        %and3A_180 = vector.broadcast %and3A_179 : i32 to vector<16xi32>
        %and3A_181 = arith.andi %gather3A_178, %and3A_180 : vector<16xi32>
        %shift_right_logical3A_182 = arith.constant 16 : i32
        %shift_right_logical3A_183 = vector.broadcast %shift_right_logical3A_182 : i32 to vector<16xi32>
        %shift_right_logical3A_184 = arith.shrui %gather3A_178, %shift_right_logical3A_183 : vector<16xi32>
        %gather3A_185 = tpu.vector_load_idx %arg8[%and3A_181] : memref<1024xf32, #tpu.memory_space<vmem>>[vector<16xi32>], vector<16xf32>,
        %gather3A_186 = tpu.vector_load_idx %arg8[%shift_right_logical3A_184] : memref<1024xf32, #tpu.memory_space<vmem>>[vector<16xi32>], vector<16xf32>,
        %add3A_187 = arith.constant 6 : i32
        %add3A_188 = vector.broadcast %add3A_187 : i32 to vector<16xi32>
        %add3A_189 = arith.addi %scan3A_117, %add3A_188 : vector<16xi32>
        %gather3A_190 = tpu.vector_load_idx %arg7[%add3A_74, %add3A_189] : memref<64x200xi32, #tpu.memory_space<vmem>>[vector<16xi32>, vector<16xi32>], vector<16xi32>,
        %and3A_191 = arith.constant 65535 : i32
        %and3A_192 = vector.broadcast %and3A_191 : i32 to vector<16xi32>
        %and3A_193 = arith.andi %gather3A_190, %and3A_192 : vector<16xi32>
        %shift_right_logical3A_194 = arith.constant 16 : i32
        %shift_right_logical3A_195 = vector.broadcast %shift_right_logical3A_194 : i32 to vector<16xi32>
        %shift_right_logical3A_196 = arith.shrui %gather3A_190, %shift_right_logical3A_195 : vector<16xi32>
        %gather3A_197 = tpu.vector_load_idx %arg8[%and3A_193] : memref<1024xf32, #tpu.memory_space<vmem>>[vector<16xi32>], vector<16xf32>,
        %gather3A_198 = tpu.vector_load_idx %arg8[%shift_right_logical3A_196] : memref<1024xf32, #tpu.memory_space<vmem>>[vector<16xi32>], vector<16xf32>,
        %add3A_199 = arith.constant 7 : i32
        %add3A_200 = vector.broadcast %add3A_199 : i32 to vector<16xi32>
        %add3A_201 = arith.addi %scan3A_117, %add3A_200 : vector<16xi32>
        %gather3A_202 = tpu.vector_load_idx %arg7[%add3A_74, %add3A_201] : memref<64x200xi32, #tpu.memory_space<vmem>>[vector<16xi32>, vector<16xi32>], vector<16xi32>,
        %and3A_203 = arith.constant 65535 : i32
        %and3A_204 = vector.broadcast %and3A_203 : i32 to vector<16xi32>
        %and3A_205 = arith.andi %gather3A_202, %and3A_204 : vector<16xi32>
        %shift_right_logical3A_206 = arith.constant 16 : i32
        %shift_right_logical3A_207 = vector.broadcast %shift_right_logical3A_206 : i32 to vector<16xi32>
        %shift_right_logical3A_208 = arith.shrui %gather3A_202, %shift_right_logical3A_207 : vector<16xi32>
        %gather3A_209 = tpu.vector_load_idx %arg8[%and3A_205] : memref<1024xf32, #tpu.memory_space<vmem>>[vector<16xi32>], vector<16xf32>,
        %gather3A_210 = tpu.vector_load_idx %arg8[%shift_right_logical3A_208] : memref<1024xf32, #tpu.memory_space<vmem>>[vector<16xi32>], vector<16xf32>,
        %add3A_211 = arith.addf %gather3A_125, %gather3A_137 : vector<16xf32>
        %add3A_212 = arith.addf %gather3A_149, %gather3A_161 : vector<16xf32>
        %add3A_213 = arith.addf %gather3A_173, %gather3A_185 : vector<16xf32>
        %add3A_214 = arith.addf %gather3A_197, %gather3A_209 : vector<16xf32>
        %add3A_215 = arith.addf %add3A_211, %add3A_212 : vector<16xf32>
        %add3A_216 = arith.addf %add3A_213, %add3A_214 : vector<16xf32>
        %add3A_217 = arith.addf %add3A_215, %add3A_216 : vector<16xf32>
        %add3A_218 = arith.addf %scan3A_115, %add3A_217 : vector<16xf32>
        %add3A_219 = arith.addf %gather3A_126, %gather3A_138 : vector<16xf32>
        %add3A_220 = arith.addf %gather3A_150, %gather3A_162 : vector<16xf32>
        %add3A_221 = arith.addf %gather3A_174, %gather3A_186 : vector<16xf32>
        %add3A_222 = arith.addf %gather3A_198, %gather3A_210 : vector<16xf32>
        %add3A_223 = arith.addf %add3A_219, %add3A_220 : vector<16xf32>
        %add3A_224 = arith.addf %add3A_221, %add3A_222 : vector<16xf32>
        %add3A_225 = arith.addf %add3A_223, %add3A_224 : vector<16xf32>
        %add3A_226 = arith.addf %scan3A_116, %add3A_225 : vector<16xf32>
        %add3A_227 = arith.constant 8 : i32
        %add3A_228 = vector.broadcast %add3A_227 : i32 to vector<16xi32>
        %add3A_229 = arith.addi %scan3A_117, %add3A_228 : vector<16xi32>
        %ge3A = arith.constant 200 : i32
        %ge3A_230 = vector.broadcast %ge3A : i32 to vector<16xi32>
        %ge3A_231 = arith.cmpi sge, %add3A_229, %ge3A_230 : vector<16xi32>
        %sub3A = arith.constant 200 : i32
        %sub3A_232 = vector.broadcast %sub3A : i32 to vector<16xi32>
        %sub3A_233 = arith.subi %add3A_229, %sub3A_232 : vector<16xi32>
        %select_n3A = arith.select %ge3A_231, %sub3A_233, %add3A_229 : vector<16xi1>, vector<16xi32>
        scf.yield %add3A_218, %add3A_226, %select_n3A : vector<16xf32>, vector<16xf32>, vector<16xi32>
      }
      %scan3A_84 = arith.constant 25 : i32
      %mul3A_85 = arith.constant 16 : i32
      %mul3A_86 = arith.muli %scan3A_69, %mul3A_85 : i32
      %add3A_87 = arith.constant 64 : i32
      %add3A_88 = arith.addi %add3A_87, %mul3A_86 : i32
      %add3A_89 = arith.addf %scan3A_83#0, %get3A_6 : vector<16xf32>
      %neg3A = arith.constant 0.000000e+00 : f32
      %neg3A_90 = vector.broadcast %neg3A : f32 to vector<16xf32>
      %neg3A_91 = arith.subf %neg3A_90, %add3A_89 : vector<16xf32>
      %exp3A = math.exp %neg3A_91 : vector<16xf32>
      %add3A_92 = arith.constant 1.000000e+00 : f32
      %add3A_93 = vector.broadcast %add3A_92 : f32 to vector<16xf32>
      %add3A_94 = arith.addf %add3A_93, %exp3A : vector<16xf32>
      %div3A = arith.constant 1.000000e+00 : f32
      %div3A_95 = vector.broadcast %div3A : f32 to vector<16xf32>
      %div3A_96 = arith.divf %div3A_95, %add3A_94 : vector<16xf32>
      %swap3A = arith.index_cast %add3A_88 : i32 to index
      %swap3A_97 = tpu.vector_load %arg10[%swap3A] {strides = array<i32>} : memref<512xf32, #tpu.memory_space<vmem>>, vector<16xf32>,
      tpu.vector_store %arg10[%swap3A], %div3A_96 {strides = array<i32>} : memref<512xf32, #tpu.memory_space<vmem>>, vector<16xf32>,
      %add3A_98 = arith.addf %scan3A_83#1, %get3A_6 : vector<16xf32>
      %neg3A_99 = arith.constant 0.000000e+00 : f32
      %neg3A_100 = vector.broadcast %neg3A_99 : f32 to vector<16xf32>
      %neg3A_101 = arith.subf %neg3A_100, %add3A_98 : vector<16xf32>
      %exp3A_102 = math.exp %neg3A_101 : vector<16xf32>
      %add3A_103 = arith.constant 1.000000e+00 : f32
      %add3A_104 = vector.broadcast %add3A_103 : f32 to vector<16xf32>
      %add3A_105 = arith.addf %add3A_104, %exp3A_102 : vector<16xf32>
      %div3A_106 = arith.constant 1.000000e+00 : f32
      %div3A_107 = vector.broadcast %div3A_106 : f32 to vector<16xf32>
      %div3A_108 = arith.divf %div3A_107, %add3A_105 : vector<16xf32>
      %add3A_109 = arith.constant 256 : i32
      %add3A_110 = arith.addi %add3A_109, %add3A_88 : i32
      %swap3A_111 = arith.index_cast %add3A_110 : i32 to index
      %swap3A_112 = tpu.vector_load %arg10[%swap3A_111] {strides = array<i32>} : memref<512xf32, #tpu.memory_space<vmem>>, vector<16xf32>,
      tpu.vector_store %arg10[%swap3A_111], %div3A_108 {strides = array<i32>} : memref<512xf32, #tpu.memory_space<vmem>>, vector<16xf32>,
      %scan3A_113 = arith.constant 0 : i32
      scf.yield %scan3A_113 : i32
    }
    %scan3A_38 = arith.constant 4 : i32
    %add3A_39 = arith.constant 192 : i32
    %add3A_40 = arith.addi %mul3A_2, %add3A_39 : i32
    %dma_start3A_41 = arith.constant 0 : i32
    %dma_start3A_42 = tpu.memref_slice %arg2[%add3A_40, %dma_start3A_41] : memref<8192x200xi32, #tpu.memory_space<hbm>> -> memref<64x200xi32, #tpu.memory_space<hbm>>
    %dma_start3A_43 = arith.constant 0 : i32
    %dma_start3A_44 = tpu.memref_slice %arg2[%add3A_40, %dma_start3A_43] : memref<8192x200xi32, #tpu.memory_space<hbm>> -> memref<64x200xi32, #tpu.memory_space<hbm>>
    tpu.enqueue_dma source(%dma_start3A_44 : memref<64x200xi32, #tpu.memory_space<hbm>>) target(%arg7 : memref<64x200xi32, #tpu.memory_space<vmem>>) target_semaphore(%arg12 : memref<!tpu.dma_semaphore, #tpu.memory_space<semaphore_mem>>)
    %dma_wait3A_45 = arith.constant 0 : i32
    %dma_wait3A_46 = tpu.memref_slice %arg2[%add3A_23, %dma_wait3A_45] : memref<8192x200xi32, #tpu.memory_space<hbm>> -> memref<64x200xi32, #tpu.memory_space<hbm>>
    %dma_wait3A_47 = arith.constant 0 : i32
    %dma_wait3A_48 = tpu.memref_slice %arg2[%add3A_23, %dma_wait3A_47] : memref<8192x200xi32, #tpu.memory_space<hbm>> -> memref<64x200xi32, #tpu.memory_space<hbm>>
    tpu.wait_dma2 semaphore(%arg11 : memref<!tpu.dma_semaphore, #tpu.memory_space<semaphore_mem>>) src(%dma_wait3A_48 : memref<64x200xi32, #tpu.memory_space<hbm>>) dst(%arg6 : memref<64x200xi32, #tpu.memory_space<vmem>>)
    %scan3A_49 = arith.constant 0 : i32
    %scan3A_50 = arith.constant 0 : i32
    %scan3A_51 = arith.constant 4 : i32
    %scan3A_52 = arith.addi %scan3A_50, %scan3A_51 : i32
    %scan3A_53 = arith.constant 1 : i32
    %scan3A_54 = scf.for %scan3A_69 = %scan3A_50 to %scan3A_52 step %scan3A_53 iter_args(%scan3A_70 = %scan3A_49) -> (i32)  : i32 {
      %mul3A_71 = arith.constant 16 : i32
      %mul3A_72 = arith.muli %scan3A_69, %mul3A_71 : i32
      %add3A_73 = vector.broadcast %mul3A_72 : i32 to vector<16xi32>
      %add3A_74 = arith.addi %iota3A, %add3A_73 : vector<16xi32>
      %broadcast_in_dim3A = arith.constant 0.000000e+00 : f32
      %broadcast_in_dim3A_75 = vector.broadcast %broadcast_in_dim3A : f32 to vector<16xf32>
      %mul3A_76 = arith.constant 8 : i32
      %mul3A_77 = vector.broadcast %mul3A_76 : i32 to vector<16xi32>
      %mul3A_78 = arith.muli %iota3A, %mul3A_77 : vector<16xi32>
      %scan3A_79 = arith.constant 0 : i32
      %scan3A_80 = arith.constant 25 : i32
      %scan3A_81 = arith.addi %scan3A_79, %scan3A_80 : i32
      %scan3A_82 = arith.constant 1 : i32
      %scan3A_83:3 = scf.for %scan3A_114 = %scan3A_79 to %scan3A_81 step %scan3A_82 iter_args(%scan3A_115 = %broadcast_in_dim3A_75, %scan3A_116 = %broadcast_in_dim3A_75, %scan3A_117 = %mul3A_78) -> (vector<16xf32>, vector<16xf32>, vector<16xi32>)  : i32 {
        %add3A_118 = arith.constant 0 : i32
        %add3A_119 = vector.broadcast %add3A_118 : i32 to vector<16xi32>
        %add3A_120 = arith.addi %scan3A_117, %add3A_119 : vector<16xi32>
        %gather3A = tpu.vector_load_idx %arg6[%add3A_74, %add3A_120] : memref<64x200xi32, #tpu.memory_space<vmem>>[vector<16xi32>, vector<16xi32>], vector<16xi32>,
        %and3A = arith.constant 65535 : i32
        %and3A_121 = vector.broadcast %and3A : i32 to vector<16xi32>
        %and3A_122 = arith.andi %gather3A, %and3A_121 : vector<16xi32>
        %shift_right_logical3A = arith.constant 16 : i32
        %shift_right_logical3A_123 = vector.broadcast %shift_right_logical3A : i32 to vector<16xi32>
        %shift_right_logical3A_124 = arith.shrui %gather3A, %shift_right_logical3A_123 : vector<16xi32>
        %gather3A_125 = tpu.vector_load_idx %arg8[%and3A_122] : memref<1024xf32, #tpu.memory_space<vmem>>[vector<16xi32>], vector<16xf32>,
        %gather3A_126 = tpu.vector_load_idx %arg8[%shift_right_logical3A_124] : memref<1024xf32, #tpu.memory_space<vmem>>[vector<16xi32>], vector<16xf32>,
        %add3A_127 = arith.constant 1 : i32
        %add3A_128 = vector.broadcast %add3A_127 : i32 to vector<16xi32>
        %add3A_129 = arith.addi %scan3A_117, %add3A_128 : vector<16xi32>
        %gather3A_130 = tpu.vector_load_idx %arg6[%add3A_74, %add3A_129] : memref<64x200xi32, #tpu.memory_space<vmem>>[vector<16xi32>, vector<16xi32>], vector<16xi32>,
        %and3A_131 = arith.constant 65535 : i32
        %and3A_132 = vector.broadcast %and3A_131 : i32 to vector<16xi32>
        %and3A_133 = arith.andi %gather3A_130, %and3A_132 : vector<16xi32>
        %shift_right_logical3A_134 = arith.constant 16 : i32
        %shift_right_logical3A_135 = vector.broadcast %shift_right_logical3A_134 : i32 to vector<16xi32>
        %shift_right_logical3A_136 = arith.shrui %gather3A_130, %shift_right_logical3A_135 : vector<16xi32>
        %gather3A_137 = tpu.vector_load_idx %arg8[%and3A_133] : memref<1024xf32, #tpu.memory_space<vmem>>[vector<16xi32>], vector<16xf32>,
        %gather3A_138 = tpu.vector_load_idx %arg8[%shift_right_logical3A_136] : memref<1024xf32, #tpu.memory_space<vmem>>[vector<16xi32>], vector<16xf32>,
        %add3A_139 = arith.constant 2 : i32
        %add3A_140 = vector.broadcast %add3A_139 : i32 to vector<16xi32>
        %add3A_141 = arith.addi %scan3A_117, %add3A_140 : vector<16xi32>
        %gather3A_142 = tpu.vector_load_idx %arg6[%add3A_74, %add3A_141] : memref<64x200xi32, #tpu.memory_space<vmem>>[vector<16xi32>, vector<16xi32>], vector<16xi32>,
        %and3A_143 = arith.constant 65535 : i32
        %and3A_144 = vector.broadcast %and3A_143 : i32 to vector<16xi32>
        %and3A_145 = arith.andi %gather3A_142, %and3A_144 : vector<16xi32>
        %shift_right_logical3A_146 = arith.constant 16 : i32
        %shift_right_logical3A_147 = vector.broadcast %shift_right_logical3A_146 : i32 to vector<16xi32>
        %shift_right_logical3A_148 = arith.shrui %gather3A_142, %shift_right_logical3A_147 : vector<16xi32>
        %gather3A_149 = tpu.vector_load_idx %arg8[%and3A_145] : memref<1024xf32, #tpu.memory_space<vmem>>[vector<16xi32>], vector<16xf32>,
        %gather3A_150 = tpu.vector_load_idx %arg8[%shift_right_logical3A_148] : memref<1024xf32, #tpu.memory_space<vmem>>[vector<16xi32>], vector<16xf32>,
        %add3A_151 = arith.constant 3 : i32
        %add3A_152 = vector.broadcast %add3A_151 : i32 to vector<16xi32>
        %add3A_153 = arith.addi %scan3A_117, %add3A_152 : vector<16xi32>
        %gather3A_154 = tpu.vector_load_idx %arg6[%add3A_74, %add3A_153] : memref<64x200xi32, #tpu.memory_space<vmem>>[vector<16xi32>, vector<16xi32>], vector<16xi32>,
        %and3A_155 = arith.constant 65535 : i32
        %and3A_156 = vector.broadcast %and3A_155 : i32 to vector<16xi32>
        %and3A_157 = arith.andi %gather3A_154, %and3A_156 : vector<16xi32>
        %shift_right_logical3A_158 = arith.constant 16 : i32
        %shift_right_logical3A_159 = vector.broadcast %shift_right_logical3A_158 : i32 to vector<16xi32>
        %shift_right_logical3A_160 = arith.shrui %gather3A_154, %shift_right_logical3A_159 : vector<16xi32>
        %gather3A_161 = tpu.vector_load_idx %arg8[%and3A_157] : memref<1024xf32, #tpu.memory_space<vmem>>[vector<16xi32>], vector<16xf32>,
        %gather3A_162 = tpu.vector_load_idx %arg8[%shift_right_logical3A_160] : memref<1024xf32, #tpu.memory_space<vmem>>[vector<16xi32>], vector<16xf32>,
        %add3A_163 = arith.constant 4 : i32
        %add3A_164 = vector.broadcast %add3A_163 : i32 to vector<16xi32>
        %add3A_165 = arith.addi %scan3A_117, %add3A_164 : vector<16xi32>
        %gather3A_166 = tpu.vector_load_idx %arg6[%add3A_74, %add3A_165] : memref<64x200xi32, #tpu.memory_space<vmem>>[vector<16xi32>, vector<16xi32>], vector<16xi32>,
        %and3A_167 = arith.constant 65535 : i32
        %and3A_168 = vector.broadcast %and3A_167 : i32 to vector<16xi32>
        %and3A_169 = arith.andi %gather3A_166, %and3A_168 : vector<16xi32>
        %shift_right_logical3A_170 = arith.constant 16 : i32
        %shift_right_logical3A_171 = vector.broadcast %shift_right_logical3A_170 : i32 to vector<16xi32>
        %shift_right_logical3A_172 = arith.shrui %gather3A_166, %shift_right_logical3A_171 : vector<16xi32>
        %gather3A_173 = tpu.vector_load_idx %arg8[%and3A_169] : memref<1024xf32, #tpu.memory_space<vmem>>[vector<16xi32>], vector<16xf32>,
        %gather3A_174 = tpu.vector_load_idx %arg8[%shift_right_logical3A_172] : memref<1024xf32, #tpu.memory_space<vmem>>[vector<16xi32>], vector<16xf32>,
        %add3A_175 = arith.constant 5 : i32
        %add3A_176 = vector.broadcast %add3A_175 : i32 to vector<16xi32>
        %add3A_177 = arith.addi %scan3A_117, %add3A_176 : vector<16xi32>
        %gather3A_178 = tpu.vector_load_idx %arg6[%add3A_74, %add3A_177] : memref<64x200xi32, #tpu.memory_space<vmem>>[vector<16xi32>, vector<16xi32>], vector<16xi32>,
        %and3A_179 = arith.constant 65535 : i32
        %and3A_180 = vector.broadcast %and3A_179 : i32 to vector<16xi32>
        %and3A_181 = arith.andi %gather3A_178, %and3A_180 : vector<16xi32>
        %shift_right_logical3A_182 = arith.constant 16 : i32
        %shift_right_logical3A_183 = vector.broadcast %shift_right_logical3A_182 : i32 to vector<16xi32>
        %shift_right_logical3A_184 = arith.shrui %gather3A_178, %shift_right_logical3A_183 : vector<16xi32>
        %gather3A_185 = tpu.vector_load_idx %arg8[%and3A_181] : memref<1024xf32, #tpu.memory_space<vmem>>[vector<16xi32>], vector<16xf32>,
        %gather3A_186 = tpu.vector_load_idx %arg8[%shift_right_logical3A_184] : memref<1024xf32, #tpu.memory_space<vmem>>[vector<16xi32>], vector<16xf32>,
        %add3A_187 = arith.constant 6 : i32
        %add3A_188 = vector.broadcast %add3A_187 : i32 to vector<16xi32>
        %add3A_189 = arith.addi %scan3A_117, %add3A_188 : vector<16xi32>
        %gather3A_190 = tpu.vector_load_idx %arg6[%add3A_74, %add3A_189] : memref<64x200xi32, #tpu.memory_space<vmem>>[vector<16xi32>, vector<16xi32>], vector<16xi32>,
        %and3A_191 = arith.constant 65535 : i32
        %and3A_192 = vector.broadcast %and3A_191 : i32 to vector<16xi32>
        %and3A_193 = arith.andi %gather3A_190, %and3A_192 : vector<16xi32>
        %shift_right_logical3A_194 = arith.constant 16 : i32
        %shift_right_logical3A_195 = vector.broadcast %shift_right_logical3A_194 : i32 to vector<16xi32>
        %shift_right_logical3A_196 = arith.shrui %gather3A_190, %shift_right_logical3A_195 : vector<16xi32>
        %gather3A_197 = tpu.vector_load_idx %arg8[%and3A_193] : memref<1024xf32, #tpu.memory_space<vmem>>[vector<16xi32>], vector<16xf32>,
        %gather3A_198 = tpu.vector_load_idx %arg8[%shift_right_logical3A_196] : memref<1024xf32, #tpu.memory_space<vmem>>[vector<16xi32>], vector<16xf32>,
        %add3A_199 = arith.constant 7 : i32
        %add3A_200 = vector.broadcast %add3A_199 : i32 to vector<16xi32>
        %add3A_201 = arith.addi %scan3A_117, %add3A_200 : vector<16xi32>
        %gather3A_202 = tpu.vector_load_idx %arg6[%add3A_74, %add3A_201] : memref<64x200xi32, #tpu.memory_space<vmem>>[vector<16xi32>, vector<16xi32>], vector<16xi32>,
        %and3A_203 = arith.constant 65535 : i32
        %and3A_204 = vector.broadcast %and3A_203 : i32 to vector<16xi32>
        %and3A_205 = arith.andi %gather3A_202, %and3A_204 : vector<16xi32>
        %shift_right_logical3A_206 = arith.constant 16 : i32
        %shift_right_logical3A_207 = vector.broadcast %shift_right_logical3A_206 : i32 to vector<16xi32>
        %shift_right_logical3A_208 = arith.shrui %gather3A_202, %shift_right_logical3A_207 : vector<16xi32>
        %gather3A_209 = tpu.vector_load_idx %arg8[%and3A_205] : memref<1024xf32, #tpu.memory_space<vmem>>[vector<16xi32>], vector<16xf32>,
        %gather3A_210 = tpu.vector_load_idx %arg8[%shift_right_logical3A_208] : memref<1024xf32, #tpu.memory_space<vmem>>[vector<16xi32>], vector<16xf32>,
        %add3A_211 = arith.addf %gather3A_125, %gather3A_137 : vector<16xf32>
        %add3A_212 = arith.addf %gather3A_149, %gather3A_161 : vector<16xf32>
        %add3A_213 = arith.addf %gather3A_173, %gather3A_185 : vector<16xf32>
        %add3A_214 = arith.addf %gather3A_197, %gather3A_209 : vector<16xf32>
        %add3A_215 = arith.addf %add3A_211, %add3A_212 : vector<16xf32>
        %add3A_216 = arith.addf %add3A_213, %add3A_214 : vector<16xf32>
        %add3A_217 = arith.addf %add3A_215, %add3A_216 : vector<16xf32>
        %add3A_218 = arith.addf %scan3A_115, %add3A_217 : vector<16xf32>
        %add3A_219 = arith.addf %gather3A_126, %gather3A_138 : vector<16xf32>
        %add3A_220 = arith.addf %gather3A_150, %gather3A_162 : vector<16xf32>
        %add3A_221 = arith.addf %gather3A_174, %gather3A_186 : vector<16xf32>
        %add3A_222 = arith.addf %gather3A_198, %gather3A_210 : vector<16xf32>
        %add3A_223 = arith.addf %add3A_219, %add3A_220 : vector<16xf32>
        %add3A_224 = arith.addf %add3A_221, %add3A_222 : vector<16xf32>
        %add3A_225 = arith.addf %add3A_223, %add3A_224 : vector<16xf32>
        %add3A_226 = arith.addf %scan3A_116, %add3A_225 : vector<16xf32>
        %add3A_227 = arith.constant 8 : i32
        %add3A_228 = vector.broadcast %add3A_227 : i32 to vector<16xi32>
        %add3A_229 = arith.addi %scan3A_117, %add3A_228 : vector<16xi32>
        %ge3A = arith.constant 200 : i32
        %ge3A_230 = vector.broadcast %ge3A : i32 to vector<16xi32>
        %ge3A_231 = arith.cmpi sge, %add3A_229, %ge3A_230 : vector<16xi32>
        %sub3A = arith.constant 200 : i32
        %sub3A_232 = vector.broadcast %sub3A : i32 to vector<16xi32>
        %sub3A_233 = arith.subi %add3A_229, %sub3A_232 : vector<16xi32>
        %select_n3A = arith.select %ge3A_231, %sub3A_233, %add3A_229 : vector<16xi1>, vector<16xi32>
        scf.yield %add3A_218, %add3A_226, %select_n3A : vector<16xf32>, vector<16xf32>, vector<16xi32>
      }
      %scan3A_84 = arith.constant 25 : i32
      %mul3A_85 = arith.constant 16 : i32
      %mul3A_86 = arith.muli %scan3A_69, %mul3A_85 : i32
      %add3A_87 = arith.constant 128 : i32
      %add3A_88 = arith.addi %add3A_87, %mul3A_86 : i32
      %add3A_89 = arith.addf %scan3A_83#0, %get3A_6 : vector<16xf32>
      %neg3A = arith.constant 0.000000e+00 : f32
      %neg3A_90 = vector.broadcast %neg3A : f32 to vector<16xf32>
      %neg3A_91 = arith.subf %neg3A_90, %add3A_89 : vector<16xf32>
      %exp3A = math.exp %neg3A_91 : vector<16xf32>
      %add3A_92 = arith.constant 1.000000e+00 : f32
      %add3A_93 = vector.broadcast %add3A_92 : f32 to vector<16xf32>
      %add3A_94 = arith.addf %add3A_93, %exp3A : vector<16xf32>
      %div3A = arith.constant 1.000000e+00 : f32
      %div3A_95 = vector.broadcast %div3A : f32 to vector<16xf32>
      %div3A_96 = arith.divf %div3A_95, %add3A_94 : vector<16xf32>
      %swap3A = arith.index_cast %add3A_88 : i32 to index
      %swap3A_97 = tpu.vector_load %arg10[%swap3A] {strides = array<i32>} : memref<512xf32, #tpu.memory_space<vmem>>, vector<16xf32>,
      tpu.vector_store %arg10[%swap3A], %div3A_96 {strides = array<i32>} : memref<512xf32, #tpu.memory_space<vmem>>, vector<16xf32>,
      %add3A_98 = arith.addf %scan3A_83#1, %get3A_6 : vector<16xf32>
      %neg3A_99 = arith.constant 0.000000e+00 : f32
      %neg3A_100 = vector.broadcast %neg3A_99 : f32 to vector<16xf32>
      %neg3A_101 = arith.subf %neg3A_100, %add3A_98 : vector<16xf32>
      %exp3A_102 = math.exp %neg3A_101 : vector<16xf32>
      %add3A_103 = arith.constant 1.000000e+00 : f32
      %add3A_104 = vector.broadcast %add3A_103 : f32 to vector<16xf32>
      %add3A_105 = arith.addf %add3A_104, %exp3A_102 : vector<16xf32>
      %div3A_106 = arith.constant 1.000000e+00 : f32
      %div3A_107 = vector.broadcast %div3A_106 : f32 to vector<16xf32>
      %div3A_108 = arith.divf %div3A_107, %add3A_105 : vector<16xf32>
      %add3A_109 = arith.constant 256 : i32
      %add3A_110 = arith.addi %add3A_109, %add3A_88 : i32
      %swap3A_111 = arith.index_cast %add3A_110 : i32 to index
      %swap3A_112 = tpu.vector_load %arg10[%swap3A_111] {strides = array<i32>} : memref<512xf32, #tpu.memory_space<vmem>>, vector<16xf32>,
      tpu.vector_store %arg10[%swap3A_111], %div3A_108 {strides = array<i32>} : memref<512xf32, #tpu.memory_space<vmem>>, vector<16xf32>,
      %scan3A_113 = arith.constant 0 : i32
      scf.yield %scan3A_113 : i32
    }
    %scan3A_55 = arith.constant 4 : i32
    %dma_wait3A_56 = arith.constant 0 : i32
    %dma_wait3A_57 = tpu.memref_slice %arg2[%add3A_40, %dma_wait3A_56] : memref<8192x200xi32, #tpu.memory_space<hbm>> -> memref<64x200xi32, #tpu.memory_space<hbm>>
    %dma_wait3A_58 = arith.constant 0 : i32
    %dma_wait3A_59 = tpu.memref_slice %arg2[%add3A_40, %dma_wait3A_58] : memref<8192x200xi32, #tpu.memory_space<hbm>> -> memref<64x200xi32, #tpu.memory_space<hbm>>
    tpu.wait_dma2 semaphore(%arg12 : memref<!tpu.dma_semaphore, #tpu.memory_space<semaphore_mem>>) src(%dma_wait3A_59 : memref<64x200xi32, #tpu.memory_space<hbm>>) dst(%arg7 : memref<64x200xi32, #tpu.memory_space<vmem>>)
    %scan3A_60 = arith.constant 0 : i32
    %scan3A_61 = arith.constant 0 : i32
    %scan3A_62 = arith.constant 4 : i32
    %scan3A_63 = arith.addi %scan3A_61, %scan3A_62 : i32
    %scan3A_64 = arith.constant 1 : i32
    %scan3A_65 = scf.for %scan3A_69 = %scan3A_61 to %scan3A_63 step %scan3A_64 iter_args(%scan3A_70 = %scan3A_60) -> (i32)  : i32 {
      %mul3A_71 = arith.constant 16 : i32
      %mul3A_72 = arith.muli %scan3A_69, %mul3A_71 : i32
      %add3A_73 = vector.broadcast %mul3A_72 : i32 to vector<16xi32>
      %add3A_74 = arith.addi %iota3A, %add3A_73 : vector<16xi32>
      %broadcast_in_dim3A = arith.constant 0.000000e+00 : f32
      %broadcast_in_dim3A_75 = vector.broadcast %broadcast_in_dim3A : f32 to vector<16xf32>
      %mul3A_76 = arith.constant 8 : i32
      %mul3A_77 = vector.broadcast %mul3A_76 : i32 to vector<16xi32>
      %mul3A_78 = arith.muli %iota3A, %mul3A_77 : vector<16xi32>
      %scan3A_79 = arith.constant 0 : i32
      %scan3A_80 = arith.constant 25 : i32
      %scan3A_81 = arith.addi %scan3A_79, %scan3A_80 : i32
      %scan3A_82 = arith.constant 1 : i32
      %scan3A_83:3 = scf.for %scan3A_114 = %scan3A_79 to %scan3A_81 step %scan3A_82 iter_args(%scan3A_115 = %broadcast_in_dim3A_75, %scan3A_116 = %broadcast_in_dim3A_75, %scan3A_117 = %mul3A_78) -> (vector<16xf32>, vector<16xf32>, vector<16xi32>)  : i32 {
        %add3A_118 = arith.constant 0 : i32
        %add3A_119 = vector.broadcast %add3A_118 : i32 to vector<16xi32>
        %add3A_120 = arith.addi %scan3A_117, %add3A_119 : vector<16xi32>
        %gather3A = tpu.vector_load_idx %arg7[%add3A_74, %add3A_120] : memref<64x200xi32, #tpu.memory_space<vmem>>[vector<16xi32>, vector<16xi32>], vector<16xi32>,
        %and3A = arith.constant 65535 : i32
        %and3A_121 = vector.broadcast %and3A : i32 to vector<16xi32>
        %and3A_122 = arith.andi %gather3A, %and3A_121 : vector<16xi32>
        %shift_right_logical3A = arith.constant 16 : i32
        %shift_right_logical3A_123 = vector.broadcast %shift_right_logical3A : i32 to vector<16xi32>
        %shift_right_logical3A_124 = arith.shrui %gather3A, %shift_right_logical3A_123 : vector<16xi32>
        %gather3A_125 = tpu.vector_load_idx %arg8[%and3A_122] : memref<1024xf32, #tpu.memory_space<vmem>>[vector<16xi32>], vector<16xf32>,
        %gather3A_126 = tpu.vector_load_idx %arg8[%shift_right_logical3A_124] : memref<1024xf32, #tpu.memory_space<vmem>>[vector<16xi32>], vector<16xf32>,
        %add3A_127 = arith.constant 1 : i32
        %add3A_128 = vector.broadcast %add3A_127 : i32 to vector<16xi32>
        %add3A_129 = arith.addi %scan3A_117, %add3A_128 : vector<16xi32>
        %gather3A_130 = tpu.vector_load_idx %arg7[%add3A_74, %add3A_129] : memref<64x200xi32, #tpu.memory_space<vmem>>[vector<16xi32>, vector<16xi32>], vector<16xi32>,
        %and3A_131 = arith.constant 65535 : i32
        %and3A_132 = vector.broadcast %and3A_131 : i32 to vector<16xi32>
        %and3A_133 = arith.andi %gather3A_130, %and3A_132 : vector<16xi32>
        %shift_right_logical3A_134 = arith.constant 16 : i32
        %shift_right_logical3A_135 = vector.broadcast %shift_right_logical3A_134 : i32 to vector<16xi32>
        %shift_right_logical3A_136 = arith.shrui %gather3A_130, %shift_right_logical3A_135 : vector<16xi32>
        %gather3A_137 = tpu.vector_load_idx %arg8[%and3A_133] : memref<1024xf32, #tpu.memory_space<vmem>>[vector<16xi32>], vector<16xf32>,
        %gather3A_138 = tpu.vector_load_idx %arg8[%shift_right_logical3A_136] : memref<1024xf32, #tpu.memory_space<vmem>>[vector<16xi32>], vector<16xf32>,
        %add3A_139 = arith.constant 2 : i32
        %add3A_140 = vector.broadcast %add3A_139 : i32 to vector<16xi32>
        %add3A_141 = arith.addi %scan3A_117, %add3A_140 : vector<16xi32>
        %gather3A_142 = tpu.vector_load_idx %arg7[%add3A_74, %add3A_141] : memref<64x200xi32, #tpu.memory_space<vmem>>[vector<16xi32>, vector<16xi32>], vector<16xi32>,
        %and3A_143 = arith.constant 65535 : i32
        %and3A_144 = vector.broadcast %and3A_143 : i32 to vector<16xi32>
        %and3A_145 = arith.andi %gather3A_142, %and3A_144 : vector<16xi32>
        %shift_right_logical3A_146 = arith.constant 16 : i32
        %shift_right_logical3A_147 = vector.broadcast %shift_right_logical3A_146 : i32 to vector<16xi32>
        %shift_right_logical3A_148 = arith.shrui %gather3A_142, %shift_right_logical3A_147 : vector<16xi32>
        %gather3A_149 = tpu.vector_load_idx %arg8[%and3A_145] : memref<1024xf32, #tpu.memory_space<vmem>>[vector<16xi32>], vector<16xf32>,
        %gather3A_150 = tpu.vector_load_idx %arg8[%shift_right_logical3A_148] : memref<1024xf32, #tpu.memory_space<vmem>>[vector<16xi32>], vector<16xf32>,
        %add3A_151 = arith.constant 3 : i32
        %add3A_152 = vector.broadcast %add3A_151 : i32 to vector<16xi32>
        %add3A_153 = arith.addi %scan3A_117, %add3A_152 : vector<16xi32>
        %gather3A_154 = tpu.vector_load_idx %arg7[%add3A_74, %add3A_153] : memref<64x200xi32, #tpu.memory_space<vmem>>[vector<16xi32>, vector<16xi32>], vector<16xi32>,
        %and3A_155 = arith.constant 65535 : i32
        %and3A_156 = vector.broadcast %and3A_155 : i32 to vector<16xi32>
        %and3A_157 = arith.andi %gather3A_154, %and3A_156 : vector<16xi32>
        %shift_right_logical3A_158 = arith.constant 16 : i32
        %shift_right_logical3A_159 = vector.broadcast %shift_right_logical3A_158 : i32 to vector<16xi32>
        %shift_right_logical3A_160 = arith.shrui %gather3A_154, %shift_right_logical3A_159 : vector<16xi32>
        %gather3A_161 = tpu.vector_load_idx %arg8[%and3A_157] : memref<1024xf32, #tpu.memory_space<vmem>>[vector<16xi32>], vector<16xf32>,
        %gather3A_162 = tpu.vector_load_idx %arg8[%shift_right_logical3A_160] : memref<1024xf32, #tpu.memory_space<vmem>>[vector<16xi32>], vector<16xf32>,
        %add3A_163 = arith.constant 4 : i32
        %add3A_164 = vector.broadcast %add3A_163 : i32 to vector<16xi32>
        %add3A_165 = arith.addi %scan3A_117, %add3A_164 : vector<16xi32>
        %gather3A_166 = tpu.vector_load_idx %arg7[%add3A_74, %add3A_165] : memref<64x200xi32, #tpu.memory_space<vmem>>[vector<16xi32>, vector<16xi32>], vector<16xi32>,
        %and3A_167 = arith.constant 65535 : i32
        %and3A_168 = vector.broadcast %and3A_167 : i32 to vector<16xi32>
        %and3A_169 = arith.andi %gather3A_166, %and3A_168 : vector<16xi32>
        %shift_right_logical3A_170 = arith.constant 16 : i32
        %shift_right_logical3A_171 = vector.broadcast %shift_right_logical3A_170 : i32 to vector<16xi32>
        %shift_right_logical3A_172 = arith.shrui %gather3A_166, %shift_right_logical3A_171 : vector<16xi32>
        %gather3A_173 = tpu.vector_load_idx %arg8[%and3A_169] : memref<1024xf32, #tpu.memory_space<vmem>>[vector<16xi32>], vector<16xf32>,
        %gather3A_174 = tpu.vector_load_idx %arg8[%shift_right_logical3A_172] : memref<1024xf32, #tpu.memory_space<vmem>>[vector<16xi32>], vector<16xf32>,
        %add3A_175 = arith.constant 5 : i32
        %add3A_176 = vector.broadcast %add3A_175 : i32 to vector<16xi32>
        %add3A_177 = arith.addi %scan3A_117, %add3A_176 : vector<16xi32>
        %gather3A_178 = tpu.vector_load_idx %arg7[%add3A_74, %add3A_177] : memref<64x200xi32, #tpu.memory_space<vmem>>[vector<16xi32>, vector<16xi32>], vector<16xi32>,
        %and3A_179 = arith.constant 65535 : i32
        %and3A_180 = vector.broadcast %and3A_179 : i32 to vector<16xi32>
        %and3A_181 = arith.andi %gather3A_178, %and3A_180 : vector<16xi32>
        %shift_right_logical3A_182 = arith.constant 16 : i32
        %shift_right_logical3A_183 = vector.broadcast %shift_right_logical3A_182 : i32 to vector<16xi32>
        %shift_right_logical3A_184 = arith.shrui %gather3A_178, %shift_right_logical3A_183 : vector<16xi32>
        %gather3A_185 = tpu.vector_load_idx %arg8[%and3A_181] : memref<1024xf32, #tpu.memory_space<vmem>>[vector<16xi32>], vector<16xf32>,
        %gather3A_186 = tpu.vector_load_idx %arg8[%shift_right_logical3A_184] : memref<1024xf32, #tpu.memory_space<vmem>>[vector<16xi32>], vector<16xf32>,
        %add3A_187 = arith.constant 6 : i32
        %add3A_188 = vector.broadcast %add3A_187 : i32 to vector<16xi32>
        %add3A_189 = arith.addi %scan3A_117, %add3A_188 : vector<16xi32>
        %gather3A_190 = tpu.vector_load_idx %arg7[%add3A_74, %add3A_189] : memref<64x200xi32, #tpu.memory_space<vmem>>[vector<16xi32>, vector<16xi32>], vector<16xi32>,
        %and3A_191 = arith.constant 65535 : i32
        %and3A_192 = vector.broadcast %and3A_191 : i32 to vector<16xi32>
        %and3A_193 = arith.andi %gather3A_190, %and3A_192 : vector<16xi32>
        %shift_right_logical3A_194 = arith.constant 16 : i32
        %shift_right_logical3A_195 = vector.broadcast %shift_right_logical3A_194 : i32 to vector<16xi32>
        %shift_right_logical3A_196 = arith.shrui %gather3A_190, %shift_right_logical3A_195 : vector<16xi32>
        %gather3A_197 = tpu.vector_load_idx %arg8[%and3A_193] : memref<1024xf32, #tpu.memory_space<vmem>>[vector<16xi32>], vector<16xf32>,
        %gather3A_198 = tpu.vector_load_idx %arg8[%shift_right_logical3A_196] : memref<1024xf32, #tpu.memory_space<vmem>>[vector<16xi32>], vector<16xf32>,
        %add3A_199 = arith.constant 7 : i32
        %add3A_200 = vector.broadcast %add3A_199 : i32 to vector<16xi32>
        %add3A_201 = arith.addi %scan3A_117, %add3A_200 : vector<16xi32>
        %gather3A_202 = tpu.vector_load_idx %arg7[%add3A_74, %add3A_201] : memref<64x200xi32, #tpu.memory_space<vmem>>[vector<16xi32>, vector<16xi32>], vector<16xi32>,
        %and3A_203 = arith.constant 65535 : i32
        %and3A_204 = vector.broadcast %and3A_203 : i32 to vector<16xi32>
        %and3A_205 = arith.andi %gather3A_202, %and3A_204 : vector<16xi32>
        %shift_right_logical3A_206 = arith.constant 16 : i32
        %shift_right_logical3A_207 = vector.broadcast %shift_right_logical3A_206 : i32 to vector<16xi32>
        %shift_right_logical3A_208 = arith.shrui %gather3A_202, %shift_right_logical3A_207 : vector<16xi32>
        %gather3A_209 = tpu.vector_load_idx %arg8[%and3A_205] : memref<1024xf32, #tpu.memory_space<vmem>>[vector<16xi32>], vector<16xf32>,
        %gather3A_210 = tpu.vector_load_idx %arg8[%shift_right_logical3A_208] : memref<1024xf32, #tpu.memory_space<vmem>>[vector<16xi32>], vector<16xf32>,
        %add3A_211 = arith.addf %gather3A_125, %gather3A_137 : vector<16xf32>
        %add3A_212 = arith.addf %gather3A_149, %gather3A_161 : vector<16xf32>
        %add3A_213 = arith.addf %gather3A_173, %gather3A_185 : vector<16xf32>
        %add3A_214 = arith.addf %gather3A_197, %gather3A_209 : vector<16xf32>
        %add3A_215 = arith.addf %add3A_211, %add3A_212 : vector<16xf32>
        %add3A_216 = arith.addf %add3A_213, %add3A_214 : vector<16xf32>
        %add3A_217 = arith.addf %add3A_215, %add3A_216 : vector<16xf32>
        %add3A_218 = arith.addf %scan3A_115, %add3A_217 : vector<16xf32>
        %add3A_219 = arith.addf %gather3A_126, %gather3A_138 : vector<16xf32>
        %add3A_220 = arith.addf %gather3A_150, %gather3A_162 : vector<16xf32>
        %add3A_221 = arith.addf %gather3A_174, %gather3A_186 : vector<16xf32>
        %add3A_222 = arith.addf %gather3A_198, %gather3A_210 : vector<16xf32>
        %add3A_223 = arith.addf %add3A_219, %add3A_220 : vector<16xf32>
        %add3A_224 = arith.addf %add3A_221, %add3A_222 : vector<16xf32>
        %add3A_225 = arith.addf %add3A_223, %add3A_224 : vector<16xf32>
        %add3A_226 = arith.addf %scan3A_116, %add3A_225 : vector<16xf32>
        %add3A_227 = arith.constant 8 : i32
        %add3A_228 = vector.broadcast %add3A_227 : i32 to vector<16xi32>
        %add3A_229 = arith.addi %scan3A_117, %add3A_228 : vector<16xi32>
        %ge3A = arith.constant 200 : i32
        %ge3A_230 = vector.broadcast %ge3A : i32 to vector<16xi32>
        %ge3A_231 = arith.cmpi sge, %add3A_229, %ge3A_230 : vector<16xi32>
        %sub3A = arith.constant 200 : i32
        %sub3A_232 = vector.broadcast %sub3A : i32 to vector<16xi32>
        %sub3A_233 = arith.subi %add3A_229, %sub3A_232 : vector<16xi32>
        %select_n3A = arith.select %ge3A_231, %sub3A_233, %add3A_229 : vector<16xi1>, vector<16xi32>
        scf.yield %add3A_218, %add3A_226, %select_n3A : vector<16xf32>, vector<16xf32>, vector<16xi32>
      }
      %scan3A_84 = arith.constant 25 : i32
      %mul3A_85 = arith.constant 16 : i32
      %mul3A_86 = arith.muli %scan3A_69, %mul3A_85 : i32
      %add3A_87 = arith.constant 192 : i32
      %add3A_88 = arith.addi %add3A_87, %mul3A_86 : i32
      %add3A_89 = arith.addf %scan3A_83#0, %get3A_6 : vector<16xf32>
      %neg3A = arith.constant 0.000000e+00 : f32
      %neg3A_90 = vector.broadcast %neg3A : f32 to vector<16xf32>
      %neg3A_91 = arith.subf %neg3A_90, %add3A_89 : vector<16xf32>
      %exp3A = math.exp %neg3A_91 : vector<16xf32>
      %add3A_92 = arith.constant 1.000000e+00 : f32
      %add3A_93 = vector.broadcast %add3A_92 : f32 to vector<16xf32>
      %add3A_94 = arith.addf %add3A_93, %exp3A : vector<16xf32>
      %div3A = arith.constant 1.000000e+00 : f32
      %div3A_95 = vector.broadcast %div3A : f32 to vector<16xf32>
      %div3A_96 = arith.divf %div3A_95, %add3A_94 : vector<16xf32>
      %swap3A = arith.index_cast %add3A_88 : i32 to index
      %swap3A_97 = tpu.vector_load %arg10[%swap3A] {strides = array<i32>} : memref<512xf32, #tpu.memory_space<vmem>>, vector<16xf32>,
      tpu.vector_store %arg10[%swap3A], %div3A_96 {strides = array<i32>} : memref<512xf32, #tpu.memory_space<vmem>>, vector<16xf32>,
      %add3A_98 = arith.addf %scan3A_83#1, %get3A_6 : vector<16xf32>
      %neg3A_99 = arith.constant 0.000000e+00 : f32
      %neg3A_100 = vector.broadcast %neg3A_99 : f32 to vector<16xf32>
      %neg3A_101 = arith.subf %neg3A_100, %add3A_98 : vector<16xf32>
      %exp3A_102 = math.exp %neg3A_101 : vector<16xf32>
      %add3A_103 = arith.constant 1.000000e+00 : f32
      %add3A_104 = vector.broadcast %add3A_103 : f32 to vector<16xf32>
      %add3A_105 = arith.addf %add3A_104, %exp3A_102 : vector<16xf32>
      %div3A_106 = arith.constant 1.000000e+00 : f32
      %div3A_107 = vector.broadcast %div3A_106 : f32 to vector<16xf32>
      %div3A_108 = arith.divf %div3A_107, %add3A_105 : vector<16xf32>
      %add3A_109 = arith.constant 256 : i32
      %add3A_110 = arith.addi %add3A_109, %add3A_88 : i32
      %swap3A_111 = arith.index_cast %add3A_110 : i32 to index
      %swap3A_112 = tpu.vector_load %arg10[%swap3A_111] {strides = array<i32>} : memref<512xf32, #tpu.memory_space<vmem>>, vector<16xf32>,
      tpu.vector_store %arg10[%swap3A_111], %div3A_108 {strides = array<i32>} : memref<512xf32, #tpu.memory_space<vmem>>, vector<16xf32>,
      %scan3A_113 = arith.constant 0 : i32
      scf.yield %scan3A_113 : i32
    }
    %scan3A_66 = arith.constant 4 : i32
    "tpu.region"() ({
      %run_scoped3A = tpu.sem_alloc : memref<!tpu.dma_semaphore, #tpu.memory_space<semaphore_mem>>
      %dma_start3A_69 = arith.constant 0 : i32
      %dma_start3A_70 = tpu.memref_slice %arg10[%dma_start3A_69] : memref<512xf32, #tpu.memory_space<vmem>> -> memref<256xf32, #tpu.memory_space<vmem>>
      %dma_start3A_71 = tpu.memref_slice %arg5[%mul3A_2] : memref<16384xf32, #tpu.memory_space<hbm>> -> memref<256xf32, #tpu.memory_space<hbm>>
      %dma_start3A_72 = tpu.memref_slice %arg5[%mul3A_2] : memref<16384xf32, #tpu.memory_space<hbm>> -> memref<256xf32, #tpu.memory_space<hbm>>
      %dma_start3A_73 = arith.constant 0 : i32
      %dma_start3A_74 = tpu.memref_slice %arg10[%dma_start3A_73] : memref<512xf32, #tpu.memory_space<vmem>> -> memref<256xf32, #tpu.memory_space<vmem>>
      tpu.enqueue_dma source(%dma_start3A_74 : memref<256xf32, #tpu.memory_space<vmem>>) target(%dma_start3A_72 : memref<256xf32, #tpu.memory_space<hbm>>) target_semaphore(%run_scoped3A : memref<!tpu.dma_semaphore, #tpu.memory_space<semaphore_mem>>)
      %dma_wait3A_75 = arith.constant 0 : i32
      %dma_wait3A_76 = tpu.memref_slice %arg10[%dma_wait3A_75] : memref<512xf32, #tpu.memory_space<vmem>> -> memref<256xf32, #tpu.memory_space<vmem>>
      %dma_wait3A_77 = tpu.memref_slice %arg5[%mul3A_2] : memref<16384xf32, #tpu.memory_space<hbm>> -> memref<256xf32, #tpu.memory_space<hbm>>
      %dma_wait3A_78 = tpu.memref_slice %arg5[%mul3A_2] : memref<16384xf32, #tpu.memory_space<hbm>> -> memref<256xf32, #tpu.memory_space<hbm>>
      %dma_wait3A_79 = arith.constant 0 : i32
      %dma_wait3A_80 = tpu.memref_slice %arg10[%dma_wait3A_79] : memref<512xf32, #tpu.memory_space<vmem>> -> memref<256xf32, #tpu.memory_space<vmem>>
      tpu.wait_dma2 semaphore(%run_scoped3A : memref<!tpu.dma_semaphore, #tpu.memory_space<semaphore_mem>>) src(%dma_wait3A_80 : memref<256xf32, #tpu.memory_space<vmem>>) dst(%dma_wait3A_78 : memref<256xf32, #tpu.memory_space<hbm>>)
      tpu.yield
    }) : () -> ()
    %add3A_67 = arith.constant 8192 : i32
    %add3A_68 = arith.addi %add3A_67, %mul3A_2 : i32
    "tpu.region"() ({
      %run_scoped3A = tpu.sem_alloc : memref<!tpu.dma_semaphore, #tpu.memory_space<semaphore_mem>>
      %dma_start3A_69 = arith.constant 256 : i32
      %dma_start3A_70 = tpu.memref_slice %arg10[%dma_start3A_69] : memref<512xf32, #tpu.memory_space<vmem>> -> memref<256xf32, #tpu.memory_space<vmem>>
      %dma_start3A_71 = tpu.memref_slice %arg5[%add3A_68] : memref<16384xf32, #tpu.memory_space<hbm>> -> memref<256xf32, #tpu.memory_space<hbm>>
      %dma_start3A_72 = tpu.memref_slice %arg5[%add3A_68] : memref<16384xf32, #tpu.memory_space<hbm>> -> memref<256xf32, #tpu.memory_space<hbm>>
      %dma_start3A_73 = arith.constant 256 : i32
      %dma_start3A_74 = tpu.memref_slice %arg10[%dma_start3A_73] : memref<512xf32, #tpu.memory_space<vmem>> -> memref<256xf32, #tpu.memory_space<vmem>>
      tpu.enqueue_dma source(%dma_start3A_74 : memref<256xf32, #tpu.memory_space<vmem>>) target(%dma_start3A_72 : memref<256xf32, #tpu.memory_space<hbm>>) target_semaphore(%run_scoped3A : memref<!tpu.dma_semaphore, #tpu.memory_space<semaphore_mem>>)
      %dma_wait3A_75 = arith.constant 256 : i32
      %dma_wait3A_76 = tpu.memref_slice %arg10[%dma_wait3A_75] : memref<512xf32, #tpu.memory_space<vmem>> -> memref<256xf32, #tpu.memory_space<vmem>>
      %dma_wait3A_77 = tpu.memref_slice %arg5[%add3A_68] : memref<16384xf32, #tpu.memory_space<hbm>> -> memref<256xf32, #tpu.memory_space<hbm>>
      %dma_wait3A_78 = tpu.memref_slice %arg5[%add3A_68] : memref<16384xf32, #tpu.memory_space<hbm>> -> memref<256xf32, #tpu.memory_space<hbm>>
      %dma_wait3A_79 = arith.constant 256 : i32
      %dma_wait3A_80 = tpu.memref_slice %arg10[%dma_wait3A_79] : memref<512xf32, #tpu.memory_space<vmem>> -> memref<256xf32, #tpu.memory_space<vmem>>
      tpu.wait_dma2 semaphore(%run_scoped3A : memref<!tpu.dma_semaphore, #tpu.memory_space<semaphore_mem>>) src(%dma_wait3A_80 : memref<256xf32, #tpu.memory_space<vmem>>) dst(%dma_wait3A_78 : memref<256xf32, #tpu.memory_space<hbm>>)
      tpu.yield
    }) : () -> ()
    return
  }
}

module attributes {stable_mosaic.version = 14 : i64} {
  func.func @_pack_and_score_body(%arg0: i32, %arg1: memref<512x200xi32, #tpu.memory_space<vmem>>, %arg2: memref<512x200xi32, #tpu.memory_space<vmem>>, %arg3: memref<1000x100xf32, #tpu.memory_space<vmem>>, %arg4: memref<1x100xf32, #tpu.memory_space<vmem>>, %arg5: memref<512x200xi32, #tpu.memory_space<vmem>>, %arg6: memref<1024x1xf32, #tpu.memory_space<vmem>>) attributes {dimension_semantics = [#tpu.dimension_semantics<arbitrary>], iteration_bounds = array<i64: 16>, scalar_prefetch = 0 : i64, scratch_operands = 0 : i64, tpu.core_type = #tpu.core_type<tc>, window_params = [{transform_indices = @transform_0, window_bounds = array<i64: 512, 200>}, {transform_indices = @transform_1, window_bounds = array<i64: 512, 200>}, {pipeline_mode = #tpu.pipeline_mode<synchronous>, transform_indices = @transform_2, window_bounds = array<i64: 1000, 100>}, {pipeline_mode = #tpu.pipeline_mode<synchronous>, transform_indices = @transform_3, window_bounds = array<i64: 1, 100>}, {transform_indices = @transform_4, window_bounds = array<i64: 512, 200>}, {pipeline_mode = #tpu.pipeline_mode<synchronous>, transform_indices = @transform_5, window_bounds = array<i64: 1024, 1>}]} {
    %get3A = arith.constant 0 : index
    %get3A_0 = arith.constant 0 : index
    %get3A_1 = vector.load %arg1[%get3A, %get3A_0] : memref<512x200xi32, #tpu.memory_space<vmem>>, vector<512x200xi32>
    %get3A_2 = arith.constant 0 : index
    %get3A_3 = arith.constant 0 : index
    %get3A_4 = vector.load %arg2[%get3A_2, %get3A_3] : memref<512x200xi32, #tpu.memory_space<vmem>>, vector<512x200xi32>
    %shift_left3A = arith.constant 16 : i32
    %shift_left3A_5 = vector.broadcast %shift_left3A : i32 to vector<512x200xi32>
    %shift_left3A_6 = arith.shli %get3A_4, %shift_left3A_5 : vector<512x200xi32>
    %or3A = arith.ori %get3A_1, %shift_left3A_6 : vector<512x200xi32>
    %swap3A = arith.constant 0 : index
    %swap3A_7 = arith.constant 0 : index
    %swap3A_8 = vector.load %arg5[%swap3A, %swap3A_7] : memref<512x200xi32, #tpu.memory_space<vmem>>, vector<512x200xi32>
    tpu.vector_store %arg5[%swap3A, %swap3A_7], %or3A {strides = array<i32>} : memref<512x200xi32, #tpu.memory_space<vmem>>, vector<512x200xi32>,
    %eq3A = arith.constant 0 : i32
    %eq3A_9 = arith.cmpi eq, %arg0, %eq3A : i32
    %convert_element_type3A = arith.extui %eq3A_9 : i1 to i32
    %cond3A = arith.constant 0 : i32
    %cond3A_10 = arith.cmpi ne, %convert_element_type3A, %cond3A : i32
    scf.if %cond3A_10 {
      %broadcast_in_dim3A = arith.constant 0.000000e+00 : f32
      %broadcast_in_dim3A_11 = vector.broadcast %broadcast_in_dim3A : f32 to vector<1024x1xf32>
      %swap3A_12 = arith.constant 0 : index
      %swap3A_13 = arith.constant 0 : index
      %swap3A_14 = vector.load %arg6[%swap3A_12, %swap3A_13] : memref<1024x1xf32, #tpu.memory_space<vmem>>, vector<1024x1xf32>
      tpu.vector_store %arg6[%swap3A_12, %swap3A_13], %broadcast_in_dim3A_11 {strides = array<i32>} : memref<1024x1xf32, #tpu.memory_space<vmem>>, vector<1024x1xf32>,
      %get3A_15 = arith.constant 0 : index
      %get3A_16 = arith.constant 0 : index
      %get3A_17 = vector.load %arg3[%get3A_15, %get3A_16] : memref<1000x100xf32, #tpu.memory_space<vmem>>, vector<1000x100xf32>
      %get3A_18 = arith.constant 0 : index
      %get3A_19 = arith.constant 0 : index
      %get3A_20 = vector.load %arg4[%get3A_18, %get3A_19] : memref<1x100xf32, #tpu.memory_space<vmem>>, vector<1x100xf32>
      %mul3A = vector.broadcast %get3A_20 : vector<1x100xf32> to vector<1000x100xf32>
      %mul3A_21 = arith.mulf %get3A_17, %mul3A : vector<1000x100xf32>
      %reduce_sum3A = arith.constant dense<0.000000e+00> : vector<1000xf32>
      %reduce_sum3A_22 = vector.multi_reduction <add>, %mul3A_21, %reduce_sum3A [1] : vector<1000x100xf32> to vector<1000xf32>
      %broadcast_in_dim3A_23 = vector.shape_cast %reduce_sum3A_22 : vector<1000xf32> to vector<1000x1xf32>
      %mul3A_24 = arith.constant 5.000000e-03 : f32
      %mul3A_25 = vector.broadcast %mul3A_24 : f32 to vector<1000x1xf32>
      %mul3A_26 = arith.mulf %broadcast_in_dim3A_23, %mul3A_25 : vector<1000x1xf32>
      %swap3A_27 = arith.constant 0 : index
      %swap3A_28 = arith.constant 0 : index
      %swap3A_29 = vector.load %arg6[%swap3A_27, %swap3A_28] : memref<1024x1xf32, #tpu.memory_space<vmem>>, vector<1000x1xf32>
      tpu.vector_store %arg6[%swap3A_27, %swap3A_28], %mul3A_26 {strides = array<i32>} : memref<1024x1xf32, #tpu.memory_space<vmem>>, vector<1000x1xf32>,
    } else {
    }
    return
  }
  func.func @transform_0(%arg0: i32) -> (i32, i32) {
    %c0_i32 = arith.constant 0 : i32
    %c0_i32_0 = arith.constant 0 : i32
    return %arg0, %c0_i32 : i32, i32
  }
  func.func @transform_1(%arg0: i32) -> (i32, i32) {
    %add3A = arith.constant 16 : i32
    %add3A_0 = arith.addi %arg0, %add3A : i32
    %c0_i32 = arith.constant 0 : i32
    %c0_i32_1 = arith.constant 0 : i32
    return %add3A_0, %c0_i32 : i32, i32
  }
  func.func @transform_2(%arg0: i32) -> (i32, i32) {
    %c0_i32 = arith.constant 0 : i32
    %c0_i32_0 = arith.constant 0 : i32
    %c0_i32_1 = arith.constant 0 : i32
    return %c0_i32, %c0_i32_0 : i32, i32
  }
  func.func @transform_3(%arg0: i32) -> (i32, i32) {
    %c0_i32 = arith.constant 0 : i32
    %c0_i32_0 = arith.constant 0 : i32
    %c0_i32_1 = arith.constant 0 : i32
    return %c0_i32, %c0_i32_0 : i32, i32
  }
  func.func @transform_4(%arg0: i32) -> (i32, i32) {
    %c0_i32 = arith.constant 0 : i32
    %c0_i32_0 = arith.constant 0 : i32
    return %arg0, %c0_i32 : i32, i32
  }
  func.func @transform_5(%arg0: i32) -> (i32, i32) {
    %c0_i32 = arith.constant 0 : i32
    %c0_i32_0 = arith.constant 0 : i32
    %c0_i32_1 = arith.constant 0 : i32
    return %c0_i32, %c0_i32_0 : i32, i32
  }
}

</mosaic_0001>

<sc_bundles>
// kernel: kernel.4.cloned.1.call-start
scs
__scs_entry_jumppad:
0x0: {  	(pc) =	sbr.rel $0x88, $3  }
0x1: {  	(tag) =	ssettag $0x0;
	lr =	simm.s32 $0x1  }
0x2: {  	[smem:$0x3F9D] =	sst lr;
	_ =	strace $0xD0000000  }
0x3: {  	_ = 	snop  }
0x4: {  	_ = 	snop  }
0x5: {  	_ = 	snop  }
0x6: {  	_ = 	snop  }
0x7: {  	_ = 	snop  }
__scs_overlays_trampoline_lowered:
0x8: {  	[smem:$0x3FAC] =	sst s0  }
0x9: {  	[smem:$0x3FAD] =	sst s1  }
0xa: {  	[smem:$0x3FAE] =	sst s2  }
0xb: {  	[smem:$0x3FAF] =	sst s3  }
0xc: {  	[smem:$0x3FB0] =	sst s4  }
0xd: {  	[smem:$0x3FB1] =	sst s5  }
0xe: {  	[smem:$0x3FB2] =	sst s6  }
0xf: {  	[smem:$0x3FB3] =	sst s7  }
0x10: {  	[smem:$0x3FB4] =	sst s8  }
0x11: {  	[smem:$0x3FB5] =	sst s9;
	s0 =	simm.s32 @!p0 $0x0  }
0x12: {  	s1 =	sld [smem:$0x3F9B];
	s0 =	simm.s32 @p0 $0x1  }
0x13: {  	[smem:$0x3FB6] =	sst s0;
	s0 =	simm.s32 @!p1 $0x0  }
0x14: {  	s2 =	sld [smem:$0x3F9A];
	s0 =	simm.s32 @p1 $0x1  }
0x15: {  	[smem:$0x3FB7] =	sst s0;
	s0 =	simm.s32 @!p2 $0x0  }
0x16: {  	s3 =	sld [smem:$0x3FDB];
	s0 =	simm.s32 @p2 $0x1  }
0x17: {  	s4 =	simm.s32 $0x1BF5;
	[smem:$0x3FB9] =	sst s0  }
0x18: {  	s0 =	sld [smem:$0x3F9C];
	_ =	swait.ge [sflag:s4], $0x0  }
0x19: {  	s7 =	sld [smem:$0x3F9D]  }
0x1a: {  	s8 =	sadd.s32 $0xFFFFE003, lr  }
0x1b: {  	s9 =	sadd.s32 $0xFFFFFEF7, lr;
	s5 =	simm.s32 $0xFFFFFFFF;
	p2 =	slt.u32 s8, $0xFFFFF086  }
0x1c: {  	p1 =	slt.u32 s9, $0xF7A;
	s5 =	simm.s32 @!p2 $0x0  }
0x1d: {  	s5 =	simm.s32 @p1 $0x1;
	p0 =	seq.s32 s7, s2  }
0x1e: {  	s7 =	smul.u32 @!p0 $0xF7A, s2;
	p2 =	seq.s32 @!p0 s5, $0x0  }
0x1f: {  	s9 =	smul.u32 $0xF7A, s1;
	s8 =	simm.s32 @!p0 $0x1BF5;
	p2 =	por !p2, p0  }
0x20: {  	[sflag:s8] =	ssyncset.s32 @!p0 $0xFFFFF086;
	s6 =	sadd.s32 @!p0 s3, s7;
	s7 =	simm.s32 @!p0 $0x108  }
0x21: {  	s3 =	sadd.s32 s3, s9;
	s6 =	sadd.s32 @!p0 $0x88, s6;
	s7 =	simm.s32 @p2 $0x1082  }
0x22: {  	[simem:s7], [sflag:s8] =	dma.local @!p0 [hbm:s6], $0xF7A  }
0x23: {  	s9 =	sor.u32 $0xD0000000, s2;
	s6 =	simm.s32 $0x108;
	_ =	swait.ge @!p0 [sflag:s8], $0x0  }
0x24: {  	s3 =	sadd.s32 $0x88, s3;
	s6 =	simm.s32 @!p1 $0x1082;
	[sflag:s4] =	ssyncset.s32 $0xFFFFF086  }
0x25: {  	[simem:s6], [sflag:s4] =	dma.local [hbm:s3], $0xF7A  }
0x26: {  	[smem:$0x3F9D] =	sst s1;
	(tag) =	ssettag s2;
	_ =	strace s9  }
0x27: {  	s1 =	sld [smem:$0x3FAD]  }
0x28: {  	s2 =	sld [smem:$0x3FAE]  }
0x29: {  	s4 =	sld [smem:$0x3FB0]  }
0x2a: {  	p0 =	seq.s32 s5, $0x0;
	s5 =	sld [smem:$0x3FB1]  }
0x2b: {  	s6 =	sld [smem:$0x3FB2]  }
0x2c: {  	s7 =	sld [smem:$0x3FB3]  }
0x2d: {  	s3 =	simm.s32 $0x108;
	s8 =	sld [smem:$0x3FB4]  }
0x2e: {  	s3 =	simm.s32 @!p0 $0x1082;
	s9 =	sld [smem:$0x3FB5]  }
0x2f: {  	lr =	sadd.s32 s0, s3;
	s0 =	sld [smem:$0x3FAC]  }
0x30: {  	s3 =	sld [smem:$0x3FAF]  }
0x31: {  	[smem:$0x3FB8] =	sst s10  }
0x32: {  	s10 =	sld [smem:$0x3FB6];
	_ =	sdelay $0x3  }
0x33: {  	p0 =	seq.s32 s10, $0x1;
	s10 =	sld [smem:$0x3FB8];
	_ =	sdelay $0x3  }
0x34: {  	[smem:$0x3FB8] =	sst s10  }
0x35: {  	s10 =	sld [smem:$0x3FB7];
	_ =	sdelay $0x3  }
0x36: {  	p1 =	seq.s32 s10, $0x1;
	s10 =	sld [smem:$0x3FB8];
	_ =	sdelay $0x3  }
0x37: {  	[smem:$0x3FB8] =	sst s10  }
0x38: {  	s10 =	sld [smem:$0x3FB9]  }
0x39: {  	_ = 	snop;
	(pc) =	sbr.ind lr, $3  }
0x3a: {  	_ = 	snop  }
0x3b: {  	_ = 	snop  }
0x3c: {  	p2 =	seq.s32 s10, $0x1;
	s10 =	sld [smem:$0x3FB8]  }
0x3d: {  	_ =	shalt  }
0x3e: {  	_ =	shalt  }
0x3f: {  	_ =	shalt  }
0x40: {  	_ =	shalt  }
0x41: {  	_ =	shalt  }
0x42: {  	_ =	shalt  }
0x43: {  	_ =	shalt  }
0x44: {  	_ =	shalt  }
0x45: {  	_ =	shalt  }
0x46: {  	_ =	shalt  }
0x47: {  	_ =	shalt  }
0x48: {  	_ =	shalt  }
0x49: {  	_ =	shalt  }
0x4a: {  	_ =	shalt  }
0x4b: {  	_ =	shalt  }
0x4c: {  	_ =	shalt  }
0x4d: {  	_ =	shalt  }
0x4e: {  	_ =	shalt  }
0x4f: {  	_ =	shalt  }
0x50: {  	_ =	shalt  }
0x51: {  	_ =	shalt  }
0x52: {  	_ =	shalt  }
0x53: {  	_ =	shalt  }
0x54: {  	_ =	shalt  }
0x55: {  	_ =	shalt  }
0x56: {  	_ =	shalt  }
0x57: {  	_ =	shalt  }
0x58: {  	_ =	shalt  }
0x59: {  	_ =	shalt  }
0x5a: {  	_ =	shalt  }
0x5b: {  	_ =	shalt  }
0x5c: {  	_ =	shalt  }
0x5d: {  	_ =	shalt  }
0x5e: {  	_ =	shalt  }
0x5f: {  	_ =	shalt  }
0x60: {  	_ =	shalt  }
0x61: {  	_ =	shalt  }
0x62: {  	_ =	shalt  }
0x63: {  	_ =	shalt  }
0x64: {  	_ =	shalt  }
0x65: {  	_ =	shalt  }
0x66: {  	_ =	shalt  }
0x67: {  	_ =	shalt  }
0x68: {  	_ =	shalt  }
0x69: {  	_ =	shalt  }
0x6a: {  	_ =	shalt  }
0x6b: {  	_ =	shalt  }
0x6c: {  	_ =	shalt  }
0x6d: {  	_ =	shalt  }
0x6e: {  	_ =	shalt  }
0x6f: {  	_ =	shalt  }
0x70: {  	_ =	shalt  }
0x71: {  	_ =	shalt  }
0x72: {  	_ =	shalt  }
0x73: {  	_ =	shalt  }
0x74: {  	_ =	shalt  }
0x75: {  	_ =	shalt  }
0x76: {  	_ =	shalt  }
0x77: {  	_ =	shalt  }
0x78: {  	_ =	shalt  }
0x79: {  	_ =	shalt  }
0x7a: {  	_ =	shalt  }
0x7b: {  	_ =	shalt  }
0x7c: {  	_ =	shalt  }
0x7d: {  	_ =	shalt  }
0x7e: {  	_ =	shalt  }
0x7f: {  	_ =	shalt  }
0x80: {  	_ =	shalt  }
0x81: {  	_ =	shalt  }
0x82: {  	_ =	shalt  }
0x83: {  	_ =	shalt  }
0x84: {  	_ =	shalt  }
0x85: {  	_ =	shalt  }
0x86: {  	_ =	shalt  }
0x87: {  	_ =	shalt  }
.Lfunc_end0:
.L_simem_size_0:
called_computation_lowered:
.L_overlay_start_0:
0x88: {  	s2 =	sld [smem:$0x3FD9]  }
0x89: {  	s3 =	sld [smem:$0x3FFE];
	_ =	sdelay $0x1  }
0x8a: {  	s1 =	srdreg.scid  }
0x8b: {  	s0 =	sand.u32 $0x1, s1  }
0x8c: {  	s17 =	sshll.u32 s0, $0xA;
	s2 =	sadd.s32 s3, s2  }
0x8d: {  	s2 =	sadd.s32 s2, s17  }
0x8e: {  	[smem:$0x3FC4] =	sst s2  }
0x8f: {  	_ = 	snop  }
0x90: {  	s2 =	sld [smem:$0x3FD0];
	(tm) =	ssettm $0x1  }
0x91: {  	s18 =	sld [smem:$0x3FFB];
	_ =	sdelay $0x3  }
0x92: {  	_ =	strace s18  }
0x93: {  	s3 =	sld [smem:$0x3FFC];
	_ =	sdelay $0x3  }
0x94: {  	_ =	strace s3  }
0x95: {  	s3 =	sld [smem:$0x3FFD];
	_ =	sdelay $0x3  }
0x96: {  	_ =	strace s3  }
0x97: {  	_ =	strace $0x8FFFFFFF  }
0x98: {  	s19 =	sld [smem:$0x3FDB];
	_ =	sdelay $0x1  }
0x99: {  	s4 =	simm.s32 $_scs_section_size  }
0x9a: {  	s5 =	simm.s32 $_size__tile_overlayer_lowered;
	s6 =	simm.s32 $_tile_overlayer_lowered  }
0x9b: {  	s22 =	simm.s32 $0x1BFF;
	s21 =	sshll.u32 s6, $0x1;
	s3 =	sadd.s32 s4, s19  }
0x9c: {  	s7 =	simm.s32 $0x0;
	s20 =	sshll.u32 s5, $0x1;
	s5 =	sadd.s32 s21, s3  }
0x9d: {  	[timem:s7], [sflag:s22] =	dma.local [hbm:s5], s20  }
0x9e: {  	_ =	swait.ge [sflag:s22], s20  }
0x9f: {  	s4 =	ssub.s32 $0x0, s20;
	[sflag:s22] =	ssyncset.done $0x0  }
0xa0: {  	[sflag:s22] =	ssyncadd.s32 s4;
	_ =	sdelay $0x1  }
0xa1: {  	s23 =	simm.s32 $0x1B8B  }
0xa2: {  	_ =	swait.ge [sflag:s23], $0x1  }
0xa3: {  	[sflag:s23] =	ssyncset.done $0x0  }
0xa4: {  	s25 =	simm.s32 $0x1B8E;
	s24 =	sld [smem:$0x3FFE];
	[sflag:s23] =	ssyncadd.s32 $0xFFFFFFFF  }
0xa5: {  	s26 =	simm.s32 $execute0_lowered;
	[smem:$0x3FD2] =	sst s25  }
0xa6: {  	s5 =	sshll.u32 s26, $0x1;
	_ =	strace $0x80000046;
	[dreg:$0x1] =	wrdreg $0xFFFFFFFF  }
0xa7: {  	s28 =	simm.s32 $_size_execute0_lowered;
	s3 =	sadd.s32 s3, s5;
	[dreg:$0x0] =	wrdreg $0x0  }
0xa8: {  	s5 =	sshll.u32 s28, $0x1;
	[dreg:$0x2] =	wrdreg s3  }
0xa9: {  	[dreg:$0x3] =	wrdreg s5  }
0xaa: {  	[dreg:$0x4] =	wrdreg $0xC0  }
0xab: {  	_ =	task [dreg:s7], $0x5FFFF  }
0xac: {  	[dreg:$0x1] =	wrdreg $0xFFFFFFFF  }
0xad: {  	[dreg:$0x0] =	wrdreg $0x60  }
0xae: {  	[dreg:$0x2] =	wrdreg s24  }
0xaf: {  	[dreg:$0x3] =	wrdreg s2  }
0xb0: {  	[dreg:$0x4] =	wrdreg $0x9  }
0xb1: {  	_ =	task.clear_ibuf [dreg:s7], $0x5FFFF;
	_ =	strace $0x90000046  }
0xb2: {  	s29 =	simm.s32 $0x9;
	_ =	strace $0x80000048  }
0xb3: {  	_ =	swait.ge [sflag:s29], $0x1  }
0xb4: {  	[sflag:s29] =	ssyncadd.s32 $0xFFFFFFFF  }
0xb5: {  	_ =	strace $0x90000048  }
0xb6: {  	_ =	sfence  }
0xb7: {  	s30 =	sld [smem:$0x0];
	_ =	sdelay $0x2  }
0xb8: {  	s31 =	sshll.u32 s1, $0xD;
	s1 =	sshrl.u32 s1, $0x2  }
0xb9: {  	s3 =	sand.u32 $0x4000, s31;
	s1 =	sadd.s32 s1, s30  }
0xba: {  	s0 =	sor.u32 s3, s0;
	s1 =	sshll.u32 s1, $0x11  }
0xbb: {  	s0 =	sor.u32 s1, s0  }
0xbc: {  	s0 =	sadd.s32 $0x8F2B, s0  }
0xbd: {  	[sflag:s0] =	ssyncadd.remote.s32 $0x1  }
0xbe: {  	_ =	sfence.sel $0xFFFF  }
0xbf: {  	[dreg:$0x0] =	wrdreg $0xFFFFFFFF;
	(pc) =	sbr.abs _section_cstart, $3  }
0xc0: {  	[dreg:$0x1] =	wrdreg $0xFFFFFFFF  }
0xc1: {  	_ =	task.clear_ibuf [dreg:s7], $0x2FFFF;
	_ =	strace $0x9FFFFFFF  }
0xc2: {  	(tm) =	ssettm $0x7FFFFFFF  }
0xc3: {  	_ =	shalt  }
tec
execute0_lowered:
.L_overlay_start_1:
0x0: {  	(tag) =	ssettag $0x1  }
0x1: {  	s1 =	srdreg.scid  }
0x2: {  	s4 =	rddreg [dreg:$0x0];
	s0 =	stileid.u32  }
0x3: {  	s8 =	rddreg [dreg:$0x1];
	s2 =	simm.s32 $0x0;
	s12 =	simm.s32 $0x8000  }
0x4: {  	s13 =	simm.s32 $0x3;
	s14 =	simm.s32 $0x8400;
	s15 =	simm.s32 $0x4000  }
0x5: {  	s16 =	simm.s32 $0x1;
	s17 =	simm.s32 $0x2;
	s18 =	simm.s32 $0x8480  }
0x6: {  	s19 =	simm.s32 $0x8580;
	s3 =	sand.u32 $0x1, s1;
	s1 =	rddreg [dreg:$0x2]  }
0x7: {  	s20 =	simm.s32 $0x0;
	s5 =	sshll.u32 s0, $0x9;
	[smem:$0x7FF] =	sst s2  }
0x8: {  	s6 =	sshll.u32 s3, $0x8;
	_ =	strace $0x80000047;
	s31 =	ssub.s32 $0x2, s3  }
0x9: {  	s3 =	sadd.s32 $0x40800, s4;
	s6 =	sor.u32 s6, s5;
	s7 =	sshrl.u32 s31, $0x1  }
0xa: {  	s5 =	sshll.u32 s6, $0x5;
	s11 =	ssub.s32 s31, s7;
	s10 =	sshrl.u32 s6, $0x3  }
0xb: {  	v2 =	vlaneseq.u32;
	s9 =	sadd.s32 s5, s4;
	s4 =	sadd.s32 $0x40A00, s4;
	s8 =	sadd.s32 s8, s10  }
0xc: {  	v1 =	vand.u32 $0x7, v2;
	s11 =	smax.u32 s11, $0x1;
	s5 =	sadd.s32 $0x800, s9;
	s6 =	sadd.s32 $0x1000, s9  }
0xd: {  	v0 =	vmul.u32 $0x100, v2;
	v2 =	vmul.u32 $0x8, v2;
	v1 =	vmul.u32 $0x80, v1;
	s7 =	sadd.s32 $0x1800, s9;
	s9 =	sadd.s32 $0x2000, s9;
	s10 =	sadd.s32 $0x400, s8  }
.LBB2_1:
0xe: {  	[tilespmem:s2], [sflag:$0x1] =	stream.linear.gather [hbm4b:s5+s2], $0x4000, $0x38;
	[tilespmem:$0x8680] =	vst v63  }
0xf: {  	_ = 	snop  }
0x10: {  	[tilespmem:s12], [sflag:$0x3] =	stream.linear.gather [hbm4b:s3+s2], $0x400, $0x38;
	[tilespmem:$0x8680] =	vst v63  }
0x11: {  	_ =	swait.ge [sflag:s13], $0x400  }
0x12: {  	[sflag:s13] =	ssyncset.done $0x0  }
0x13: {  	[sflag:s13] =	ssyncadd.s32 $0xFFFFFC00  }
0x14: {  	[tilespmem:s14], [sflag:$0x3] =	stream.linear.gather [hbm4b:s4+s2], $0x80, $0x38;
	[tilespmem:$0x8680] =	vst v63  }
0x15: {  	_ =	swait.ge [sflag:s13], $0x80  }
0x16: {  	[sflag:s13] =	ssyncset.done $0x0  }
0x17: {  	[sflag:s13] =	ssyncadd.s32 $0xFFFFFF80  }
0x18: {  	v3 =	vld [tilespmem:$0x8400];
	[tilespmem:s15], [sflag:$0x2] =	stream.linear.gather [hbm4b:s6+s2], $0x4000, $0x38  }
0x19: {  	_ =	swait.ge [sflag:s16], $0x4000  }
0x1a: {  	[sflag:s16] =	ssyncset.done $0x0  }
0x1b: {  	s21 =	simm.s32 $0x0;
	[sflag:s16] =	ssyncadd.s32 $0xFFFFC000  }
.LBB2_2:
0x1c: {  	v25 =	vimm.f32 $0.0e+00;
	v6 =	vadd.s32 $0x7, v2;
	v15 =	vadd.s32 $0x3, v2  }
0x1d: {  	v16 =	vadd.s32 $0xFFFFFF40, v2;
	v18 =	vadd.s32 $0x8, v2;
	v21 =	vshll.u32 v2, $0x3  }
0x1e: {  	s22 =	sshll.u32 s21, $0x4;
	v22 =	vadd.s32 $0x4, v2;
	v11 =	vadd.s32 $0x1, v2;
	v19 =	vadd.s32 $0x5, v2  }
0x1f: {  	v13 =	vadd.s32 $0x2, v2;
	v4 =	vmov s22;
	v7 =	vshll.u32 v6, $0x3  }
0x20: {  	v6 =	vand.u32 $0x7F, v6;
	v14 =	vshll.u32 v15, $0x3;
	v4 =	vshll.u32 v4, $0x8  }
0x21: {  	vm0 =	vgt.s32 v18, $0xC7;
	v9 =	vshll.u32 v11, $0x3;
	v4 =	vor.u32 v0, v4  }
0x22: {  	v10 =	vshll.u32 v13, $0x3;
	v12 =	vshll.u32 v19, $0x3;
	v4 =	vand.u32 $0x3800, v4  }
0x23: {  	v11 =	vand.u32 $0x7F, v11;
	v26 =	vor.u32 v1, v4;
	v4 =	vadd.s32 $0x6, v2  }
0x24: {  	v13 =	vand.u32 $0x7F, v13;
	v14 =	vand.u32 $0xFFFFFC00, v14;
	v5 =	vshll.u32 v4, $0x3  }
0x25: {  	v15 =	vand.u32 $0x7F, v15;
	v24 =	vadd.s32 v26, v14;
	v5 =	vand.u32 $0xFFFFFC00, v5  }
0x26: {  	v4 =	vand.u32 $0x7F, v4;
	v24 =	vor.u32 v15, v24;
	v8 =	vadd.s32 v26, v5  }
0x27: {  	v30 =	vshll.u32 v22, $0x3;
	v7 =	vand.u32 $0xFFFFFC00, v7;
	v17 =	vor.u32 v4, v8  }
0x28: {  	v9 =	vand.u32 $0xFFFFFC00, v9;
	v10 =	vand.u32 $0xFFFFFC00, v10;
	v8 =	vadd.s32 v26, v7  }
0x29: {  	v16 =	vsel vm0, v16, v18;
	v23 =	vadd.s32 v26, v9;
	v20 =	vor.u32 v6, v8  }
0x2a: {  	v12 =	vand.u32 $0xFFFFFC00, v12;
	v27 =	vadd.s32 $0x6, v16;
	v23 =	vor.u32 v11, v23  }
0x2b: {  	v28 =	vadd.s32 $0x7, v16;
	v44 =	vadd.s32 $0x3, v16;
	v49 =	vadd.s32 $0xFFFFFF40, v16;
	v36 =	vld.idx.msk [tilespmem:v24+s2+$0x0], $0xffff  }
0x2c: {  	v18 =	vadd.s32 v26, v10;
	v32 =	vadd.s32 v26, v12;
	v31 =	vld.idx.msk [tilespmem:v17+s2+$0x0], $0xffff;
	v17 =	vand.u32 $0x7F, v19  }
0x2d: {  	v29 =	vor.u32 v13, v18;
	v19 =	vand.u32 $0xFFFFFC00, v30;
	v32 =	vor.u32 v17, v32  }
0x2e: {  	v30 =	vld.idx.msk [tilespmem:v20+s2+$0x0], $0xffff;
	v20 =	vand.u32 $0xFFFFFC00, v21;
	v33 =	vadd.s32 v26, v19;
	v21 =	vand.u32 $0x7F, v22  }
0x2f: {  	v8 =	vand.u32 $0x7F, v2;
	v35 =	vld.idx.msk [tilespmem:v23+s2+$0x0], $0xffff;
	v23 =	vadd.s32 v26, v20;
	v33 =	vor.u32 v21, v33  }
0x30: {  	v51 =	vadd.s32 $0x8, v16;
	v46 =	vshll.u32 v16, $0x3;
	v38 =	vor.u32 v8, v23  }
0x31: {  	v18 =	vand.u32 $0x7F, v27;
	v27 =	vshll.u32 v27, $0x3;
	v61 =	vand.u32 $0xFFFF, v36  }
0x32: {  	v42 =	vadd.s32 $0x4, v16;
	v23 =	vand.u32 $0xFFFFFC00, v27;
	v27 =	vld.idx.msk [tilespmem:v29+s2+$0x0], $0xffff;
	v39 =	vand.u32 $0xFFFF, v31  }
0x33: {  	v24 =	vshll.u32 v28, $0x3;
	v22 =	vand.u32 $0x7F, v28;
	v28 =	vshrl.u32 v31, $0x10;
	v32 =	vld.idx.msk [tilespmem:v32+s2+$0x0], $0xffff  }
0x34: {  	v47 =	vadd.s32 $0x5, v16;
	v56 =	vadd.s32 $0x1, v16;
	v31 =	vshrl.u32 v30, $0x10;
	v34 =	vld.idx.msk [tilespmem:v33+s2+$0x0], $0xffff  }
0x35: {  	v55 =	vadd.s32 $0x2, v16;
	v50 =	vshll.u32 v44, $0x3;
	v40 =	vand.u32 $0xFFFF, v30;
	v52 =	vld.idx.msk [tilespmem:v38+s2+$0x0], $0xffff  }
0x36: {  	vm0 =	vgt.s32 v51, $0xC7;
	v63 =	vshll.u32 v56, $0x3;
	v59 =	vshrl.u32 v36, $0x10;
	v33 =	vld.idx.msk [tilespmem:v61+s12+$0x0], $0xffff  }
0x37: {  	v37 =	vshrl.u32 v35, $0x10;
	v43 =	vand.u32 $0xFFFF, v35;
	v62 =	vand.u32 $0xFFFF, v27;
	v35 =	vld.idx.msk [tilespmem:v39+s12+$0x0], $0xffff  }
0x38: {  	v57 =	vshll.u32 v55, $0x3;
	v58 =	vshll.u32 v47, $0x3;
	v38 =	vld.idx.msk [tilespmem:v28+s12+$0x0], $0xffff;
	v53 =	vshrl.u32 v32, $0x10  }
0x39: {  	v57 =	vand.u32 $0xFFFFFC00, v57;
	v24 =	vand.u32 $0xFFFFFC00, v24;
	v29 =	vadd.s32 v26, v23;
	v31 =	vld.idx.msk [tilespmem:v31+s12+$0x0], $0xffff  }
0x3a: {  	v29 =	vor.u32 v18, v29;
	v30 =	vadd.s32 v26, v24;
	v41 =	vld.idx.msk [tilespmem:v40+s12+$0x0], $0xffff;
	v54 =	vand.u32 $0xFFFF, v32  }
0x3b: {  	v30 =	vor.u32 v22, v30;
	v39 =	vand.u32 $0x7F, v16;
	v40 =	vshrl.u32 v27, $0x10;
	v32 =	vld.idx.msk [tilespmem:v59+s12+$0x0], $0xffff  }
0x3c: {  	v27 =	vand.u32 $0xFFFFFC00, v63;
	v48 =	vand.u32 $0xFFFF, v34;
	v36 =	vld.idx.msk [tilespmem:v62+s12+$0x0], $0xffff;
	v45 =	vshrl.u32 v52, $0x10  }
0x3d: {  	s23 =	simm.s32 $0x17;
	v52 =	vand.u32 $0xFFFF, v52;
	v28 =	vld.idx.msk [tilespmem:v53+s12+$0x0], $0xffff;
	v53 =	vadd.s32 v26, v27;
	v27 =	vimm.f32 $0.0e+00  }
.LBB2_3:
0x3e: {  	p0 =	sne.s32 s23, $0x1;
	s23 =	sadd.s32 $0xFFFFFFFF, s23;
	v56 =	vand.u32 $0x7F, v56;
	v58 =	vand.u32 $0xFFFFFC00, v58;
	v37 =	vld.idx.msk [tilespmem:v37+s12+$0x0], $0xffff;
	v34 =	vshrl.u32 v34, $0x10  }
0x3f: {  	v55 =	vand.u32 $0x7F, v55;
	v59 =	vsel vm0, v49, v51;
	v49 =	vld.idx.msk [tilespmem:v54+s12+$0x0], $0xffff  }
0x40: {  	v50 =	vand.u32 $0xFFFFFC00, v50;
	v51 =	vadd.s32 $0x6, v59;
	v54 =	vadd.s32 $0x7, v59;
	v43 =	vld.idx.msk [tilespmem:v43+s12+$0x0], $0xffff  }
0x41: {  	v60 =	vand.u32 $0x7F, v51;
	v61 =	vand.u32 $0x7F, v54;
	v31 =	vadd.f32 v31, v38;
	v48 =	vld.idx.msk [tilespmem:v48+s12+$0x0], $0xffff  }
0x42: {  	v44 =	vand.u32 $0x7F, v44;
	v35 =	vadd.f32 v41, v35;
	v38 =	vadd.s32 v26, v57;
	v52 =	vld.idx.msk [tilespmem:v52+s12+$0x0], $0xffff  }
0x43: {  	v41 =	vand.u32 $0xFFFFFC00, v46;
	v46 =	vshll.u32 v42, $0x3;
	v38 =	vor.u32 v55, v38;
	v45 =	vld.idx.msk [tilespmem:v45+s12+$0x0], $0xffff  }
0x44: {  	v41 =	vadd.s32 v26, v41;
	v53 =	vor.u32 v56, v53;
	v50 =	vadd.s32 v26, v50;
	v55 =	vld.idx.msk [tilespmem:v29+s2+$0x0], $0xffff  }
0x45: {  	v29 =	vor.u32 v44, v50;
	v44 =	vand.u32 $0xFFFFFC00, v46;
	v46 =	vand.u32 $0x7F, v47;
	v40 =	vld.idx.msk [tilespmem:v40+s12+$0x0], $0xffff  }
0x46: {  	v47 =	vshll.u32 v51, $0x3;
	v50 =	vadd.s32 v26, v58;
	v44 =	vadd.s32 v26, v44;
	v34 =	vld.idx.msk [tilespmem:v34+s12+$0x0], $0xffff  }
0x47: {  	v39 =	vor.u32 v39, v41;
	v41 =	vand.u32 $0x7F, v42;
	v42 =	vadd.f32 v49, v48;
	v30 =	vld.idx.msk [tilespmem:v30+s2+$0x0], $0xffff  }
0x48: {  	v41 =	vor.u32 v41, v44;
	v44 =	vor.u32 v46, v50;
	v43 =	vadd.f32 v43, v52  }
0x49: {  	v46 =	vand.u32 $0xFFFFFC00, v47;
	v42 =	vadd.f32 v35, v42;
	v35 =	vadd.f32 v37, v45;
	v47 =	vld.idx.msk [tilespmem:v53+s2+$0x0], $0xffff  }
0x4a: {  	v33 =	vadd.f32 v33, v36;
	v37 =	vadd.s32 v26, v46;
	v52 =	vshrl.u32 v55, $0x10;
	v45 =	vld.idx.msk [tilespmem:v29+s2+$0x0], $0xffff  }
0x4b: {  	v36 =	vand.u32 $0xFFFF, v55;
	v29 =	vor.u32 v60, v37;
	v32 =	vadd.f32 v32, v40;
	v38 =	vld.idx.msk [tilespmem:v38+s2+$0x0], $0xffff  }
0x4c: {  	v33 =	vadd.f32 v33, v43;
	v37 =	vshll.u32 v54, $0x3;
	v28 =	vadd.f32 v28, v34  }
0x4d: {  	v34 =	vand.u32 $0xFFFFFC00, v37;
	v46 =	vshrl.u32 v30, $0x10;
	v48 =	vand.u32 $0xFFFF, v30;
	v40 =	vld.idx.msk [tilespmem:v44+s2+$0x0], $0xffff  }
0x4e: {  	v30 =	vadd.s32 v26, v34;
	v32 =	vadd.f32 v32, v35;
	v28 =	vadd.f32 v31, v28;
	v34 =	vld.idx.msk [tilespmem:v41+s2+$0x0], $0xffff  }
0x4f: {  	v30 =	vor.u32 v61, v30;
	v37 =	vshrl.u32 v47, $0x10;
	v43 =	vand.u32 $0xFFFF, v47;
	v60 =	vld.idx.msk [tilespmem:v39+s2+$0x0], $0xffff  }
0x50: {  	v31 =	vadd.f32 v42, v33;
	v53 =	vand.u32 $0xFFFF, v45;
	v28 =	vadd.f32 v28, v32;
	v35 =	vld.idx.msk [tilespmem:v36+s12+$0x0], $0xffff  }
0x51: {  	v49 =	vadd.s32 $0xFFFFFF40, v59;
	v44 =	vadd.s32 $0x3, v59;
	v32 =	vand.u32 $0xFFFF, v38  }
0x52: {  	v61 =	vshrl.u32 v45, $0x10;
	v25 =	vadd.f32 v31, v25;
	v27 =	vadd.f32 v28, v27  }
0x53: {  	v51 =	vadd.s32 $0x8, v59;
	v50 =	vshll.u32 v44, $0x3;
	v28 =	vshrl.u32 v40, $0x10;
	v31 =	vld.idx.msk [tilespmem:v46+s12+$0x0], $0xffff  }
0x54: {  	vm0 =	vgt.s32 v51, $0xC7;
	v39 =	vand.u32 $0x7F, v59;
	v46 =	vshll.u32 v59, $0x3;
	v41 =	vld.idx.msk [tilespmem:v48+s12+$0x0], $0xffff  }
.Ltmp0:
0x55: {  	v42 =	vadd.s32 $0x4, v59;
	v47 =	vadd.s32 $0x5, v59;
	v54 =	vand.u32 $0xFFFF, v40;
	v33 =	vld.idx.msk [tilespmem:v53+s12+$0x0], $0xffff;
	(pc) =	sbr.rel @p0 .LBB2_3-.Ltmp0, $4  }
0x56: {  	v56 =	vadd.s32 $0x1, v59;
	v55 =	vadd.s32 $0x2, v59;
	v48 =	vand.u32 $0xFFFF, v34;
	v36 =	vld.idx.msk [tilespmem:v32+s12+$0x0], $0xffff  }
0x57: {  	v57 =	vshll.u32 v55, $0x3;
	v40 =	vshrl.u32 v38, $0x10;
	v32 =	vshll.u32 v56, $0x3;
	v38 =	vld.idx.msk [tilespmem:v52+s12+$0x0], $0xffff  }
0x58: {  	v58 =	vshll.u32 v47, $0x3;
	v45 =	vshrl.u32 v60, $0x10;
	v32 =	vand.u32 $0xFFFFFC00, v32;
	v28 =	vld.idx.msk [tilespmem:v28+s12+$0x0], $0xffff  }
0x59: {  	v57 =	vand.u32 $0xFFFFFC00, v57;
	v52 =	vand.u32 $0xFFFF, v60;
	v53 =	vadd.s32 v26, v32;
	v32 =	vld.idx.msk [tilespmem:v61+s12+$0x0], $0xffff  }
0x5a: {  	_ = 	snop  }
0x5b: {  	v49 =	vand.u32 $0x7F, v56;
	v51 =	vand.u32 $0x7F, v55;
	v50 =	vand.u32 $0xFFFFFC00, v50  }
0x5c: {  	v62 =	vadd.s32 v26, v57;
	v44 =	vand.u32 $0x7F, v44;
	v50 =	vadd.s32 v26, v50  }
0x5d: {  	v63 =	vand.u32 $0xFFFFFC00, v58;
	v57 =	vshll.u32 v42, $0x3;
	v44 =	vor.u32 v44, v50  }
0x5e: {  	v47 =	vand.u32 $0x7F, v47;
	v43 =	vld.idx.msk [tilespmem:v43+s12+$0x0], $0xffff;
	v51 =	vor.u32 v51, v62;
	v58 =	vadd.s32 v26, v63  }
0x5f: {  	v46 =	vand.u32 $0xFFFFFC00, v46;
	v50 =	vld.idx.msk [tilespmem:v54+s12+$0x0], $0xffff;
	v54 =	vand.u32 $0xFFFFFC00, v57;
	v47 =	vor.u32 v47, v58  }
0x60: {  	v60 =	vand.u32 $0x7F, v42;
	v30 =	vld.idx.msk [tilespmem:v30+s2+$0x0], $0xffff;
	v49 =	vor.u32 v49, v53;
	v59 =	vadd.s32 v26, v54  }
0x61: {  	v29 =	vld.idx.msk [tilespmem:v29+s2+$0x0], $0xffff;
	v26 =	vadd.s32 v26, v46;
	v42 =	vor.u32 v60, v59  }
0x62: {  	v26 =	vor.u32 v39, v26;
	v39 =	vld.idx.msk [tilespmem:v44+s2+$0x0], $0xffff  }
0x63: {  	v44 =	vld.idx.msk [tilespmem:v51+s2+$0x0], $0xffff  }
0x64: {  	v46 =	vld.idx.msk [tilespmem:v47+s2+$0x0], $0xffff  }
0x65: {  	v61 =	vand.u32 $0xFFFF, v30;
	v47 =	vld.idx.msk [tilespmem:v49+s2+$0x0], $0xffff  }
0x66: {  	v49 =	vand.u32 $0xFFFF, v29;
	v42 =	vld.idx.msk [tilespmem:v42+s2+$0x0], $0xffff  }
0x67: {  	v26 =	vld.idx.msk [tilespmem:v26+s2+$0x0], $0xffff;
	v62 =	vand.u32 $0xFFFF, v39  }
0x68: {  	v48 =	vld.idx.msk [tilespmem:v48+s12+$0x0], $0xffff;
	v54 =	vand.u32 $0xFFFF, v44  }
0x69: {  	v52 =	vld.idx.msk [tilespmem:v52+s12+$0x0], $0xffff;
	v63 =	vand.u32 $0xFFFF, v46  }
0x6a: {  	v51 =	vld.idx.msk [tilespmem:v61+s12+$0x0], $0xffff;
	v60 =	vand.u32 $0xFFFF, v47  }
0x6b: {  	v49 =	vld.idx.msk [tilespmem:v49+s12+$0x0], $0xffff;
	v61 =	vand.u32 $0xFFFF, v42  }
0x6c: {  	v53 =	vld.idx.msk [tilespmem:v62+s12+$0x0], $0xffff;
	v62 =	vand.u32 $0xFFFF, v26  }
0x6d: {  	v54 =	vld.idx.msk [tilespmem:v54+s12+$0x0], $0xffff  }
0x6e: {  	v55 =	vld.idx.msk [tilespmem:v63+s12+$0x0], $0xffff  }
0x6f: {  	v56 =	vld.idx.msk [tilespmem:v60+s12+$0x0], $0xffff  }
0x70: {  	v57 =	vld.idx.msk [tilespmem:v61+s12+$0x0], $0xffff  }
0x71: {  	v35 =	vadd.f32 v41, v35;
	v34 =	vshrl.u32 v34, $0x10;
	v33 =	vadd.f32 v33, v36;
	v59 =	vld.idx.msk [tilespmem:v62+s12+$0x0], $0xffff  }
0x72: {  	v43 =	vadd.f32 v43, v52;
	v30 =	vshrl.u32 v30, $0x10;
	v63 =	vadd.f32 v50, v48  }
0x73: {  	v40 =	vld.idx.msk [tilespmem:v40+s12+$0x0], $0xffff;
	v29 =	vshrl.u32 v29, $0x10  }
0x74: {  	v36 =	vld.idx.msk [tilespmem:v37+s12+$0x0], $0xffff;
	v33 =	vadd.f32 v33, v43;
	v39 =	vshrl.u32 v39, $0x10;
	v35 =	vadd.f32 v35, v63  }
0x75: {  	v37 =	vld.idx.msk [tilespmem:v45+s12+$0x0], $0xffff;
	v60 =	vshrl.u32 v46, $0x10;
	v61 =	vadd.f32 v51, v49;
	v62 =	vadd.f32 v55, v57  }
0x76: {  	v34 =	vld.idx.msk [tilespmem:v34+s12+$0x0], $0xffff;
	v26 =	vshrl.u32 v26, $0x10;
	v55 =	vadd.f32 v53, v54;
	v52 =	vadd.f32 v56, v59  }
0x77: {  	v30 =	vld.idx.msk [tilespmem:v30+s12+$0x0], $0xffff;
	v63 =	vshrl.u32 v47, $0x10;
	v33 =	vadd.f32 v35, v33  }
0x78: {  	v29 =	vld.idx.msk [tilespmem:v29+s12+$0x0], $0xffff;
	v42 =	vshrl.u32 v42, $0x10;
	v43 =	vadd.f32 v61, v62;
	v57 =	vadd.f32 v55, v52  }
0x79: {  	v58 =	vld.idx.msk [tilespmem:v39+s12+$0x0], $0xffff;
	v56 =	vshrl.u32 v44, $0x10  }
0x7a: {  	v41 =	vld.idx.msk [tilespmem:v60+s12+$0x0], $0xffff;
	v25 =	vadd.f32 v33, v25;
	v59 =	vadd.f32 v43, v57  }
0x7b: {  	v26 =	vld.idx.msk [tilespmem:v26+s12+$0x0], $0xffff  }
0x7c: {  	v60 =	vld.idx.msk [tilespmem:v63+s12+$0x0], $0xffff;
	v25 =	vadd.f32 v59, v25  }
0x7d: {  	v31 =	vadd.f32 v31, v38;
	v61 =	vld.idx.msk [tilespmem:v42+s12+$0x0], $0xffff  }
0x7e: {  	v32 =	vadd.f32 v32, v40;
	v35 =	vld.idx.msk [tilespmem:v56+s12+$0x0], $0xffff;
	v25 =	vadd.f32 v25, v3  }
0x7f: {  	v36 =	vadd.f32 v36, v37;
	v28 =	vadd.f32 v28, v34  }
0x80: {  	v25 =	vsub.f32 $0.0e+00, v25  }
0x81: {  	v32 =	vadd.f32 v32, v36;
	v28 =	vadd.f32 v31, v28  }
0x82: {  	v29 =	vadd.f32 v30, v29;
	v26 =	vadd.f32 v60, v26;
	v25 =	vmul.f32 $1.442695020e+00, v25  }
0x83: {  	v63 =	vadd.f32 v41, v61;
	v62 =	vadd.f32 v58, v35  }
0x84: {  	v28 =	vadd.f32 v28, v32;
	(erf) = vpow2.f32 v25  }
0x85: {  	v25 =	vadd.f32 v62, v26;
	v26 =	vadd.f32 v29, v63;
	_ =	sdelay $0x1  }
0x86: {  	v27 =	vadd.f32 v28, v27;
	v25 =	vadd.f32 v26, v25;
	_ =	sdelay $0x1  }
0x87: {  	v25 =	vadd.f32 v25, v27;
	_ =	sdelay $0x1  }
0x88: {  	v25 =	vadd.f32 v25, v3;
	_ =	sdelay $0x1  }
0x89: {  	v25 =	vsub.f32 $0.0e+00, v25;
	v26 =	vpop (erf)  }
0x8a: {  	v26 =	vadd.f32 $1.000000000e+00, v26  }
0x8b: {  	v25 =	vmul.f32 $1.442695020e+00, v25  }
0x8c: {  	(erf) = vrcp.f32 v26  }
0x8d: {  	(erf) = vpow2.f32 v25;
	_ =	sdelay $0x7  }
0x8e: {  	v25 =	vpop (erf)  }
0x8f: {  	v26 =	vpop (erf)  }
0x90: {  	v26 =	vadd.f32 $1.000000000e+00, v26;
	_ =	sdelay $0x1  }
0x91: {  	(erf) = vrcp.f32 v26;
	_ =	sdelay $0x3  }
0x92: {  	s21 =	sadd.s32 $0x1, s21  }
0x93: {  	p0 =	sne.s32 s21, $0x4  }
.Ltmp1:
0x94: {  	_ = 	snop;
	(pc) =	sbr.rel @p0 .LBB2_2-.Ltmp1, $3  }
0x95: {  	_ =	sdelay $0x1  }
0x96: {  	[tilespmem:s22+$0x8480] =	vst v25;
	v25 =	vpop (erf)  }
0x97: {  	[tilespmem:s22+$0x8580] =	vst v25  }
0x98: {  	s21 =	simm.s32 $0x0  }
0x99: {  	[tilespmem:s21], [sflag:$0x1] =	stream.linear.gather [hbm4b:s7+s21], $0x4000, $0x38;
	[tilespmem:$0x8680] =	vst v63  }
0x9a: {  	_ =	swait.ge [sflag:s17], $0x4000  }
0x9b: {  	[sflag:s17] =	ssyncset.done $0x0  }
0x9c: {  	[sflag:s17] =	ssyncadd.s32 $0xFFFFC000  }
.LBB2_6:
0x9d: {  	s22 =	sshll.u32 s21, $0x4  }
0x9e: {  	v25 =	vmov s22  }
0x9f: {  	v25 =	vshll.u32 v25, $0x8  }
0xa0: {  	v25 =	vor.u32 v0, v25  }
0xa1: {  	v25 =	vand.u32 $0x3800, v25  }
0xa2: {  	v27 =	vor.u32 v1, v25  }
0xa3: {  	v25 =	vadd.s32 v27, v5  }
0xa4: {  	v26 =	vadd.s32 v27, v7;
	v25 =	vor.u32 v4, v25  }
0xa5: {  	v28 =	vadd.s32 v27, v9;
	v26 =	vor.u32 v6, v26  }
0xa6: {  	v29 =	vadd.s32 v27, v14;
	v28 =	vor.u32 v11, v28  }
0xa7: {  	v30 =	vadd.s32 v27, v10;
	v29 =	vor.u32 v15, v29  }
0xa8: {  	v30 =	vor.u32 v13, v30  }
0xa9: {  	v31 =	vld.idx.msk [tilespmem:v25+s15+$0x0], $0xffff  }
0xaa: {  	v25 =	vadd.s32 v27, v12;
	v26 =	vld.idx.msk [tilespmem:v26+s15+$0x0], $0xffff  }
0xab: {  	v33 =	vadd.s32 v27, v20;
	v28 =	vld.idx.msk [tilespmem:v28+s15+$0x0], $0xffff;
	v32 =	vor.u32 v17, v25  }
0xac: {  	v33 =	vor.u32 v8, v33;
	v36 =	vld.idx.msk [tilespmem:v29+s15+$0x0], $0xffff;
	v25 =	vadd.s32 v27, v19  }
0xad: {  	v38 =	vld.idx.msk [tilespmem:v30+s15+$0x0], $0xffff;
	v34 =	vor.u32 v21, v25  }
0xae: {  	v44 =	vadd.s32 $0x3, v16;
	v35 =	vand.u32 $0xFFFF, v31  }
0xaf: {  	v49 =	vadd.s32 $0xFFFFFF40, v16;
	v45 =	vshrl.u32 v31, $0x10;
	v31 =	vshrl.u32 v26, $0x10  }
0xb0: {  	v51 =	vadd.s32 $0x8, v16;
	v39 =	vand.u32 $0x7F, v16;
	v26 =	vand.u32 $0xFFFF, v26;
	v32 =	vld.idx.msk [tilespmem:v32+s15+$0x0], $0xffff  }
0xb1: {  	v46 =	vshll.u32 v16, $0x3;
	v42 =	vadd.s32 $0x4, v16;
	v52 =	vld.idx.msk [tilespmem:v33+s15+$0x0], $0xffff;
	v40 =	vand.u32 $0xFFFF, v36  }
0xb2: {  	v37 =	vshrl.u32 v28, $0x10;
	v43 =	vand.u32 $0xFFFF, v28;
	v28 =	vand.u32 $0xFFFF, v38;
	v34 =	vld.idx.msk [tilespmem:v34+s15+$0x0], $0xffff  }
0xb3: {  	v47 =	vadd.s32 $0x5, v16;
	v56 =	vadd.s32 $0x1, v16;
	v55 =	vadd.s32 $0x2, v16;
	v35 =	vld.idx.msk [tilespmem:v35+s12+$0x0], $0xffff  }
0xb4: {  	v50 =	vshll.u32 v44, $0x3;
	vm0 =	vgt.s32 v51, $0xC7;
	v59 =	vshrl.u32 v36, $0x10;
	v31 =	vld.idx.msk [tilespmem:v31+s12+$0x0], $0xffff  }
0xb5: {  	v63 =	vshll.u32 v55, $0x3;
	v58 =	vshll.u32 v47, $0x3;
	v41 =	vld.idx.msk [tilespmem:v26+s12+$0x0], $0xffff;
	v53 =	vshrl.u32 v32, $0x10  }
0xb6: {  	v57 =	vand.u32 $0xFFFFFC00, v63;
	v29 =	vadd.s32 v27, v23;
	v30 =	vadd.s32 v27, v24;
	v33 =	vld.idx.msk [tilespmem:v40+s12+$0x0], $0xffff  }
0xb7: {  	v29 =	vor.u32 v18, v29;
	v30 =	vor.u32 v22, v30;
	v36 =	vld.idx.msk [tilespmem:v28+s12+$0x0], $0xffff;
	v54 =	vand.u32 $0xFFFF, v32  }
0xb8: {  	v25 =	vimm.f32 $0.0e+00;
	v26 =	vshll.u32 v56, $0x3;
	v40 =	vshrl.u32 v38, $0x10;
	v38 =	vld.idx.msk [tilespmem:v45+s12+$0x0], $0xffff  }
0xb9: {  	v45 =	vshrl.u32 v52, $0x10;
	v26 =	vand.u32 $0xFFFFFC00, v26;
	v32 =	vld.idx.msk [tilespmem:v59+s12+$0x0], $0xffff;
	v48 =	vand.u32 $0xFFFF, v34  }
0xba: {  	s23 =	simm.s32 $0x17;
	v52 =	vand.u32 $0xFFFF, v52;
	v28 =	vld.idx.msk [tilespmem:v53+s12+$0x0], $0xffff;
	v53 =	vadd.s32 v27, v26;
	v26 =	vimm.f32 $0.0e+00  }
.LBB2_7:
0xbb: {  	p0 =	sne.s32 s23, $0x1;
	s23 =	sadd.s32 $0xFFFFFFFF, s23;
	v56 =	vand.u32 $0x7F, v56;
	v58 =	vand.u32 $0xFFFFFC00, v58;
	v37 =	vld.idx.msk [tilespmem:v37+s12+$0x0], $0xffff;
	v34 =	vshrl.u32 v34, $0x10  }
0xbc: {  	v55 =	vand.u32 $0x7F, v55;
	v59 =	vsel vm0, v49, v51;
	v49 =	vld.idx.msk [tilespmem:v54+s12+$0x0], $0xffff  }
0xbd: {  	v50 =	vand.u32 $0xFFFFFC00, v50;
	v51 =	vadd.s32 $0x6, v59;
	v54 =	vadd.s32 $0x7, v59;
	v43 =	vld.idx.msk [tilespmem:v43+s12+$0x0], $0xffff  }
0xbe: {  	v60 =	vand.u32 $0x7F, v51;
	v61 =	vand.u32 $0x7F, v54;
	v31 =	vadd.f32 v31, v38;
	v48 =	vld.idx.msk [tilespmem:v48+s12+$0x0], $0xffff  }
0xbf: {  	v44 =	vand.u32 $0x7F, v44;
	v35 =	vadd.f32 v41, v35;
	v38 =	vadd.s32 v27, v57;
	v52 =	vld.idx.msk [tilespmem:v52+s12+$0x0], $0xffff  }
0xc0: {  	v41 =	vand.u32 $0xFFFFFC00, v46;
	v46 =	vshll.u32 v42, $0x3;
	v38 =	vor.u32 v55, v38;
	v45 =	vld.idx.msk [tilespmem:v45+s12+$0x0], $0xffff  }
0xc1: {  	v41 =	vadd.s32 v27, v41;
	v53 =	vor.u32 v56, v53;
	v50 =	vadd.s32 v27, v50;
	v55 =	vld.idx.msk [tilespmem:v29+s15+$0x0], $0xffff  }
0xc2: {  	v29 =	vor.u32 v44, v50;
	v44 =	vand.u32 $0xFFFFFC00, v46;
	v46 =	vand.u32 $0x7F, v47;
	v40 =	vld.idx.msk [tilespmem:v40+s12+$0x0], $0xffff  }
0xc3: {  	v47 =	vshll.u32 v51, $0x3;
	v50 =	vadd.s32 v27, v58;
	v44 =	vadd.s32 v27, v44;
	v34 =	vld.idx.msk [tilespmem:v34+s12+$0x0], $0xffff  }
0xc4: {  	v39 =	vor.u32 v39, v41;
	v41 =	vand.u32 $0x7F, v42;
	v42 =	vadd.f32 v49, v48;
	v30 =	vld.idx.msk [tilespmem:v30+s15+$0x0], $0xffff  }
0xc5: {  	v41 =	vor.u32 v41, v44;
	v44 =	vor.u32 v46, v50;
	v43 =	vadd.f32 v43, v52  }
0xc6: {  	v46 =	vand.u32 $0xFFFFFC00, v47;
	v42 =	vadd.f32 v35, v42;
	v35 =	vadd.f32 v37, v45;
	v47 =	vld.idx.msk [tilespmem:v53+s15+$0x0], $0xffff  }
0xc7: {  	v33 =	vadd.f32 v33, v36;
	v37 =	vadd.s32 v27, v46;
	v52 =	vshrl.u32 v55, $0x10;
	v45 =	vld.idx.msk [tilespmem:v29+s15+$0x0], $0xffff  }
0xc8: {  	v36 =	vand.u32 $0xFFFF, v55;
	v29 =	vor.u32 v60, v37;
	v32 =	vadd.f32 v32, v40;
	v38 =	vld.idx.msk [tilespmem:v38+s15+$0x0], $0xffff  }
0xc9: {  	v33 =	vadd.f32 v33, v43;
	v37 =	vshll.u32 v54, $0x3;
	v28 =	vadd.f32 v28, v34  }
0xca: {  	v34 =	vand.u32 $0xFFFFFC00, v37;
	v46 =	vshrl.u32 v30, $0x10;
	v48 =	vand.u32 $0xFFFF, v30;
	v40 =	vld.idx.msk [tilespmem:v44+s15+$0x0], $0xffff  }
0xcb: {  	v30 =	vadd.s32 v27, v34;
	v32 =	vadd.f32 v32, v35;
	v28 =	vadd.f32 v31, v28;
	v34 =	vld.idx.msk [tilespmem:v41+s15+$0x0], $0xffff  }
0xcc: {  	v30 =	vor.u32 v61, v30;
	v37 =	vshrl.u32 v47, $0x10;
	v43 =	vand.u32 $0xFFFF, v47;
	v60 =	vld.idx.msk [tilespmem:v39+s15+$0x0], $0xffff  }
0xcd: {  	v31 =	vadd.f32 v42, v33;
	v53 =	vand.u32 $0xFFFF, v45;
	v28 =	vadd.f32 v28, v32;
	v35 =	vld.idx.msk [tilespmem:v36+s12+$0x0], $0xffff  }
0xce: {  	v49 =	vadd.s32 $0xFFFFFF40, v59;
	v44 =	vadd.s32 $0x3, v59;
	v32 =	vand.u32 $0xFFFF, v38  }
0xcf: {  	v61 =	vshrl.u32 v45, $0x10;
	v25 =	vadd.f32 v31, v25;
	v26 =	vadd.f32 v28, v26  }
0xd0: {  	v51 =	vadd.s32 $0x8, v59;
	v50 =	vshll.u32 v44, $0x3;
	v28 =	vshrl.u32 v40, $0x10;
	v31 =	vld.idx.msk [tilespmem:v46+s12+$0x0], $0xffff  }
0xd1: {  	vm0 =	vgt.s32 v51, $0xC7;
	v39 =	vand.u32 $0x7F, v59;
	v46 =	vshll.u32 v59, $0x3;
	v41 =	vld.idx.msk [tilespmem:v48+s12+$0x0], $0xffff  }
.Ltmp2:
0xd2: {  	v42 =	vadd.s32 $0x4, v59;
	v47 =	vadd.s32 $0x5, v59;
	v54 =	vand.u32 $0xFFFF, v40;
	v33 =	vld.idx.msk [tilespmem:v53+s12+$0x0], $0xffff;
	(pc) =	sbr.rel @p0 .LBB2_7-.Ltmp2, $4  }
0xd3: {  	v56 =	vadd.s32 $0x1, v59;
	v55 =	vadd.s32 $0x2, v59;
	v48 =	vand.u32 $0xFFFF, v34;
	v36 =	vld.idx.msk [tilespmem:v32+s12+$0x0], $0xffff  }
0xd4: {  	v57 =	vshll.u32 v55, $0x3;
	v40 =	vshrl.u32 v38, $0x10;
	v32 =	vshll.u32 v56, $0x3;
	v38 =	vld.idx.msk [tilespmem:v52+s12+$0x0], $0xffff  }
0xd5: {  	v58 =	vshll.u32 v47, $0x3;
	v45 =	vshrl.u32 v60, $0x10;
	v32 =	vand.u32 $0xFFFFFC00, v32;
	v28 =	vld.idx.msk [tilespmem:v28+s12+$0x0], $0xffff  }
0xd6: {  	v57 =	vand.u32 $0xFFFFFC00, v57;
	v52 =	vand.u32 $0xFFFF, v60;
	v53 =	vadd.s32 v27, v32;
	v32 =	vld.idx.msk [tilespmem:v61+s12+$0x0], $0xffff  }
0xd7: {  	_ = 	snop  }
0xd8: {  	v49 =	vand.u32 $0x7F, v56;
	v51 =	vand.u32 $0x7F, v55;
	v50 =	vand.u32 $0xFFFFFC00, v50  }
0xd9: {  	v62 =	vadd.s32 v27, v57;
	v44 =	vand.u32 $0x7F, v44;
	v50 =	vadd.s32 v27, v50  }
0xda: {  	v63 =	vand.u32 $0xFFFFFC00, v58;
	v57 =	vshll.u32 v42, $0x3;
	v44 =	vor.u32 v44, v50  }
0xdb: {  	v47 =	vand.u32 $0x7F, v47;
	v43 =	vld.idx.msk [tilespmem:v43+s12+$0x0], $0xffff;
	v51 =	vor.u32 v51, v62;
	v58 =	vadd.s32 v27, v63  }
0xdc: {  	v46 =	vand.u32 $0xFFFFFC00, v46;
	v50 =	vld.idx.msk [tilespmem:v54+s12+$0x0], $0xffff;
	v54 =	vand.u32 $0xFFFFFC00, v57;
	v47 =	vor.u32 v47, v58  }
0xdd: {  	v60 =	vand.u32 $0x7F, v42;
	v30 =	vld.idx.msk [tilespmem:v30+s15+$0x0], $0xffff;
	v49 =	vor.u32 v49, v53;
	v59 =	vadd.s32 v27, v54  }
0xde: {  	v29 =	vld.idx.msk [tilespmem:v29+s15+$0x0], $0xffff;
	v27 =	vadd.s32 v27, v46;
	v42 =	vor.u32 v60, v59  }
0xdf: {  	v27 =	vor.u32 v39, v27;
	v39 =	vld.idx.msk [tilespmem:v44+s15+$0x0], $0xffff  }
0xe0: {  	v44 =	vld.idx.msk [tilespmem:v51+s15+$0x0], $0xffff  }
0xe1: {  	v46 =	vld.idx.msk [tilespmem:v47+s15+$0x0], $0xffff  }
0xe2: {  	v61 =	vand.u32 $0xFFFF, v30;
	v47 =	vld.idx.msk [tilespmem:v49+s15+$0x0], $0xffff  }
0xe3: {  	v49 =	vand.u32 $0xFFFF, v29;
	v42 =	vld.idx.msk [tilespmem:v42+s15+$0x0], $0xffff  }
0xe4: {  	v27 =	vld.idx.msk [tilespmem:v27+s15+$0x0], $0xffff;
	v62 =	vand.u32 $0xFFFF, v39  }
0xe5: {  	v48 =	vld.idx.msk [tilespmem:v48+s12+$0x0], $0xffff;
	v54 =	vand.u32 $0xFFFF, v44  }
0xe6: {  	v52 =	vld.idx.msk [tilespmem:v52+s12+$0x0], $0xffff;
	v63 =	vand.u32 $0xFFFF, v46  }
0xe7: {  	v51 =	vld.idx.msk [tilespmem:v61+s12+$0x0], $0xffff;
	v60 =	vand.u32 $0xFFFF, v47  }
0xe8: {  	v49 =	vld.idx.msk [tilespmem:v49+s12+$0x0], $0xffff;
	v61 =	vand.u32 $0xFFFF, v42  }
0xe9: {  	v53 =	vld.idx.msk [tilespmem:v62+s12+$0x0], $0xffff;
	v62 =	vand.u32 $0xFFFF, v27  }
0xea: {  	v54 =	vld.idx.msk [tilespmem:v54+s12+$0x0], $0xffff  }
0xeb: {  	v55 =	vld.idx.msk [tilespmem:v63+s12+$0x0], $0xffff  }
0xec: {  	v56 =	vld.idx.msk [tilespmem:v60+s12+$0x0], $0xffff  }
0xed: {  	v57 =	vld.idx.msk [tilespmem:v61+s12+$0x0], $0xffff  }
0xee: {  	v35 =	vadd.f32 v41, v35;
	v34 =	vshrl.u32 v34, $0x10;
	v33 =	vadd.f32 v33, v36;
	v59 =	vld.idx.msk [tilespmem:v62+s12+$0x0], $0xffff  }
0xef: {  	v43 =	vadd.f32 v43, v52;
	v30 =	vshrl.u32 v30, $0x10;
	v63 =	vadd.f32 v50, v48  }
0xf0: {  	v40 =	vld.idx.msk [tilespmem:v40+s12+$0x0], $0xffff;
	v29 =	vshrl.u32 v29, $0x10  }
0xf1: {  	v36 =	vld.idx.msk [tilespmem:v37+s12+$0x0], $0xffff;
	v33 =	vadd.f32 v33, v43;
	v39 =	vshrl.u32 v39, $0x10;
	v35 =	vadd.f32 v35, v63  }
0xf2: {  	v37 =	vld.idx.msk [tilespmem:v45+s12+$0x0], $0xffff;
	v60 =	vshrl.u32 v46, $0x10;
	v61 =	vadd.f32 v51, v49;
	v62 =	vadd.f32 v55, v57  }
0xf3: {  	v34 =	vld.idx.msk [tilespmem:v34+s12+$0x0], $0xffff;
	v27 =	vshrl.u32 v27, $0x10;
	v55 =	vadd.f32 v53, v54;
	v52 =	vadd.f32 v56, v59  }
0xf4: {  	v30 =	vld.idx.msk [tilespmem:v30+s12+$0x0], $0xffff;
	v63 =	vshrl.u32 v47, $0x10;
	v33 =	vadd.f32 v35, v33  }
0xf5: {  	v29 =	vld.idx.msk [tilespmem:v29+s12+$0x0], $0xffff;
	v42 =	vshrl.u32 v42, $0x10;
	v43 =	vadd.f32 v61, v62;
	v57 =	vadd.f32 v55, v52  }
0xf6: {  	v58 =	vld.idx.msk [tilespmem:v39+s12+$0x0], $0xffff;
	v56 =	vshrl.u32 v44, $0x10  }
0xf7: {  	v41 =	vld.idx.msk [tilespmem:v60+s12+$0x0], $0xffff;
	v25 =	vadd.f32 v33, v25;
	v59 =	vadd.f32 v43, v57  }
0xf8: {  	v27 =	vld.idx.msk [tilespmem:v27+s12+$0x0], $0xffff  }
0xf9: {  	v60 =	vld.idx.msk [tilespmem:v63+s12+$0x0], $0xffff;
	v25 =	vadd.f32 v59, v25  }
0xfa: {  	v31 =	vadd.f32 v31, v38;
	v61 =	vld.idx.msk [tilespmem:v42+s12+$0x0], $0xffff  }
0xfb: {  	v32 =	vadd.f32 v32, v40;
	v35 =	vld.idx.msk [tilespmem:v56+s12+$0x0], $0xffff;
	v25 =	vadd.f32 v25, v3  }
0xfc: {  	v36 =	vadd.f32 v36, v37;
	v28 =	vadd.f32 v28, v34  }
0xfd: {  	v25 =	vsub.f32 $0.0e+00, v25  }
0xfe: {  	v32 =	vadd.f32 v32, v36;
	v28 =	vadd.f32 v31, v28  }
0xff: {  	v29 =	vadd.f32 v30, v29;
	v27 =	vadd.f32 v60, v27;
	v25 =	vmul.f32 $1.442695020e+00, v25  }
0x100: {  	v63 =	vadd.f32 v41, v61;
	v62 =	vadd.f32 v58, v35  }
0x101: {  	v28 =	vadd.f32 v28, v32;
	(erf) = vpow2.f32 v25  }
0x102: {  	v25 =	vadd.f32 v62, v27;
	v27 =	vadd.f32 v29, v63;
	_ =	sdelay $0x1  }
0x103: {  	v26 =	vadd.f32 v28, v26;
	v25 =	vadd.f32 v27, v25;
	_ =	sdelay $0x1  }
0x104: {  	v25 =	vadd.f32 v25, v26;
	_ =	sdelay $0x1  }
0x105: {  	v25 =	vadd.f32 v25, v3;
	_ =	sdelay $0x1  }
0x106: {  	v25 =	vsub.f32 $0.0e+00, v25;
	v26 =	vpop (erf)  }
0x107: {  	v26 =	vadd.f32 $1.000000000e+00, v26  }
0x108: {  	v25 =	vmul.f32 $1.442695020e+00, v25  }
0x109: {  	(erf) = vrcp.f32 v26  }
0x10a: {  	(erf) = vpow2.f32 v25;
	_ =	sdelay $0x7  }
0x10b: {  	v25 =	vpop (erf)  }
0x10c: {  	v26 =	vpop (erf)  }
0x10d: {  	v26 =	vadd.f32 $1.000000000e+00, v26;
	_ =	sdelay $0x1  }
0x10e: {  	(erf) = vrcp.f32 v26;
	_ =	sdelay $0x3  }
0x10f: {  	s21 =	sadd.s32 $0x1, s21  }
0x110: {  	p0 =	sne.s32 s21, $0x4  }
.Ltmp3:
0x111: {  	_ = 	snop;
	(pc) =	sbr.rel @p0 .LBB2_6-.Ltmp3, $3  }
0x112: {  	_ =	sdelay $0x1  }
0x113: {  	[tilespmem:s22+$0x84C0] =	vst v25;
	v25 =	vpop (erf)  }
0x114: {  	[tilespmem:s22+$0x85C0] =	vst v25  }
0x115: {  	s21 =	simm.s32 $0x0  }
0x116: {  	[tilespmem:s15], [sflag:$0x2] =	stream.linear.gather [hbm4b:s9+s21], $0x4000, $0x38;
	[tilespmem:$0x8680] =	vst v63  }
0x117: {  	_ =	swait.ge [sflag:s16], $0x4000  }
0x118: {  	[sflag:s16] =	ssyncset.done $0x0  }
0x119: {  	[sflag:s16] =	ssyncadd.s32 $0xFFFFC000  }
.LBB2_10:
0x11a: {  	s22 =	sshll.u32 s21, $0x4  }
0x11b: {  	v25 =	vmov s22  }
0x11c: {  	v25 =	vshll.u32 v25, $0x8  }
0x11d: {  	v25 =	vor.u32 v0, v25  }
0x11e: {  	v25 =	vand.u32 $0x3800, v25  }
0x11f: {  	v27 =	vor.u32 v1, v25  }
0x120: {  	v25 =	vadd.s32 v27, v5  }
0x121: {  	v26 =	vadd.s32 v27, v7;
	v25 =	vor.u32 v4, v25  }
0x122: {  	v28 =	vadd.s32 v27, v9;
	v26 =	vor.u32 v6, v26  }
0x123: {  	v29 =	vadd.s32 v27, v14;
	v28 =	vor.u32 v11, v28  }
0x124: {  	v30 =	vadd.s32 v27, v10;
	v29 =	vor.u32 v15, v29  }
0x125: {  	v30 =	vor.u32 v13, v30  }
0x126: {  	v31 =	vld.idx.msk [tilespmem:v25+s2+$0x0], $0xffff  }
0x127: {  	v25 =	vadd.s32 v27, v12;
	v26 =	vld.idx.msk [tilespmem:v26+s2+$0x0], $0xffff  }
0x128: {  	v33 =	vadd.s32 v27, v20;
	v28 =	vld.idx.msk [tilespmem:v28+s2+$0x0], $0xffff;
	v32 =	vor.u32 v17, v25  }
0x129: {  	v33 =	vor.u32 v8, v33;
	v36 =	vld.idx.msk [tilespmem:v29+s2+$0x0], $0xffff;
	v25 =	vadd.s32 v27, v19  }
0x12a: {  	v38 =	vld.idx.msk [tilespmem:v30+s2+$0x0], $0xffff;
	v34 =	vor.u32 v21, v25  }
0x12b: {  	v44 =	vadd.s32 $0x3, v16;
	v35 =	vand.u32 $0xFFFF, v31  }
0x12c: {  	v49 =	vadd.s32 $0xFFFFFF40, v16;
	v45 =	vshrl.u32 v31, $0x10;
	v31 =	vshrl.u32 v26, $0x10  }
0x12d: {  	v51 =	vadd.s32 $0x8, v16;
	v39 =	vand.u32 $0x7F, v16;
	v26 =	vand.u32 $0xFFFF, v26;
	v32 =	vld.idx.msk [tilespmem:v32+s2+$0x0], $0xffff  }
0x12e: {  	v46 =	vshll.u32 v16, $0x3;
	v42 =	vadd.s32 $0x4, v16;
	v52 =	vld.idx.msk [tilespmem:v33+s2+$0x0], $0xffff;
	v40 =	vand.u32 $0xFFFF, v36  }
0x12f: {  	v37 =	vshrl.u32 v28, $0x10;
	v43 =	vand.u32 $0xFFFF, v28;
	v28 =	vand.u32 $0xFFFF, v38;
	v34 =	vld.idx.msk [tilespmem:v34+s2+$0x0], $0xffff  }
0x130: {  	v47 =	vadd.s32 $0x5, v16;
	v56 =	vadd.s32 $0x1, v16;
	v55 =	vadd.s32 $0x2, v16;
	v35 =	vld.idx.msk [tilespmem:v35+s12+$0x0], $0xffff  }
0x131: {  	v50 =	vshll.u32 v44, $0x3;
	vm0 =	vgt.s32 v51, $0xC7;
	v59 =	vshrl.u32 v36, $0x10;
	v31 =	vld.idx.msk [tilespmem:v31+s12+$0x0], $0xffff  }
0x132: {  	v63 =	vshll.u32 v55, $0x3;
	v58 =	vshll.u32 v47, $0x3;
	v41 =	vld.idx.msk [tilespmem:v26+s12+$0x0], $0xffff;
	v53 =	vshrl.u32 v32, $0x10  }
0x133: {  	v57 =	vand.u32 $0xFFFFFC00, v63;
	v29 =	vadd.s32 v27, v23;
	v30 =	vadd.s32 v27, v24;
	v33 =	vld.idx.msk [tilespmem:v40+s12+$0x0], $0xffff  }
0x134: {  	v29 =	vor.u32 v18, v29;
	v30 =	vor.u32 v22, v30;
	v36 =	vld.idx.msk [tilespmem:v28+s12+$0x0], $0xffff;
	v54 =	vand.u32 $0xFFFF, v32  }
0x135: {  	v25 =	vimm.f32 $0.0e+00;
	v26 =	vshll.u32 v56, $0x3;
	v40 =	vshrl.u32 v38, $0x10;
	v38 =	vld.idx.msk [tilespmem:v45+s12+$0x0], $0xffff  }
0x136: {  	v45 =	vshrl.u32 v52, $0x10;
	v26 =	vand.u32 $0xFFFFFC00, v26;
	v32 =	vld.idx.msk [tilespmem:v59+s12+$0x0], $0xffff;
	v48 =	vand.u32 $0xFFFF, v34  }
0x137: {  	s23 =	simm.s32 $0x17;
	v52 =	vand.u32 $0xFFFF, v52;
	v28 =	vld.idx.msk [tilespmem:v53+s12+$0x0], $0xffff;
	v53 =	vadd.s32 v27, v26;
	v26 =	vimm.f32 $0.0e+00  }
.LBB2_11:
0x138: {  	p0 =	sne.s32 s23, $0x1;
	s23 =	sadd.s32 $0xFFFFFFFF, s23;
	v56 =	vand.u32 $0x7F, v56;
	v58 =	vand.u32 $0xFFFFFC00, v58;
	v37 =	vld.idx.msk [tilespmem:v37+s12+$0x0], $0xffff;
	v34 =	vshrl.u32 v34, $0x10  }
0x139: {  	v55 =	vand.u32 $0x7F, v55;
	v59 =	vsel vm0, v49, v51;
	v49 =	vld.idx.msk [tilespmem:v54+s12+$0x0], $0xffff  }
0x13a: {  	v50 =	vand.u32 $0xFFFFFC00, v50;
	v51 =	vadd.s32 $0x6, v59;
	v54 =	vadd.s32 $0x7, v59;
	v43 =	vld.idx.msk [tilespmem:v43+s12+$0x0], $0xffff  }
0x13b: {  	v60 =	vand.u32 $0x7F, v51;
	v61 =	vand.u32 $0x7F, v54;
	v31 =	vadd.f32 v31, v38;
	v48 =	vld.idx.msk [tilespmem:v48+s12+$0x0], $0xffff  }
0x13c: {  	v44 =	vand.u32 $0x7F, v44;
	v35 =	vadd.f32 v41, v35;
	v38 =	vadd.s32 v27, v57;
	v52 =	vld.idx.msk [tilespmem:v52+s12+$0x0], $0xffff  }
0x13d: {  	v41 =	vand.u32 $0xFFFFFC00, v46;
	v46 =	vshll.u32 v42, $0x3;
	v38 =	vor.u32 v55, v38;
	v45 =	vld.idx.msk [tilespmem:v45+s12+$0x0], $0xffff  }
0x13e: {  	v41 =	vadd.s32 v27, v41;
	v53 =	vor.u32 v56, v53;
	v50 =	vadd.s32 v27, v50;
	v55 =	vld.idx.msk [tilespmem:v29+s2+$0x0], $0xffff  }
0x13f: {  	v29 =	vor.u32 v44, v50;
	v44 =	vand.u32 $0xFFFFFC00, v46;
	v46 =	vand.u32 $0x7F, v47;
	v40 =	vld.idx.msk [tilespmem:v40+s12+$0x0], $0xffff  }
0x140: {  	v47 =	vshll.u32 v51, $0x3;
	v50 =	vadd.s32 v27, v58;
	v44 =	vadd.s32 v27, v44;
	v34 =	vld.idx.msk [tilespmem:v34+s12+$0x0], $0xffff  }
0x141: {  	v39 =	vor.u32 v39, v41;
	v41 =	vand.u32 $0x7F, v42;
	v42 =	vadd.f32 v49, v48;
	v30 =	vld.idx.msk [tilespmem:v30+s2+$0x0], $0xffff  }
0x142: {  	v41 =	vor.u32 v41, v44;
	v44 =	vor.u32 v46, v50;
	v43 =	vadd.f32 v43, v52  }
0x143: {  	v46 =	vand.u32 $0xFFFFFC00, v47;
	v42 =	vadd.f32 v35, v42;
	v35 =	vadd.f32 v37, v45;
	v47 =	vld.idx.msk [tilespmem:v53+s2+$0x0], $0xffff  }
0x144: {  	v33 =	vadd.f32 v33, v36;
	v37 =	vadd.s32 v27, v46;
	v52 =	vshrl.u32 v55, $0x10;
	v45 =	vld.idx.msk [tilespmem:v29+s2+$0x0], $0xffff  }
0x145: {  	v36 =	vand.u32 $0xFFFF, v55;
	v29 =	vor.u32 v60, v37;
	v32 =	vadd.f32 v32, v40;
	v38 =	vld.idx.msk [tilespmem:v38+s2+$0x0], $0xffff  }
0x146: {  	v33 =	vadd.f32 v33, v43;
	v37 =	vshll.u32 v54, $0x3;
	v28 =	vadd.f32 v28, v34  }
0x147: {  	v34 =	vand.u32 $0xFFFFFC00, v37;
	v46 =	vshrl.u32 v30, $0x10;
	v48 =	vand.u32 $0xFFFF, v30;
	v40 =	vld.idx.msk [tilespmem:v44+s2+$0x0], $0xffff  }
0x148: {  	v30 =	vadd.s32 v27, v34;
	v32 =	vadd.f32 v32, v35;
	v28 =	vadd.f32 v31, v28;
	v34 =	vld.idx.msk [tilespmem:v41+s2+$0x0], $0xffff  }
0x149: {  	v30 =	vor.u32 v61, v30;
	v37 =	vshrl.u32 v47, $0x10;
	v43 =	vand.u32 $0xFFFF, v47;
	v60 =	vld.idx.msk [tilespmem:v39+s2+$0x0], $0xffff  }
0x14a: {  	v31 =	vadd.f32 v42, v33;
	v53 =	vand.u32 $0xFFFF, v45;
	v28 =	vadd.f32 v28, v32;
	v35 =	vld.idx.msk [tilespmem:v36+s12+$0x0], $0xffff  }
0x14b: {  	v49 =	vadd.s32 $0xFFFFFF40, v59;
	v44 =	vadd.s32 $0x3, v59;
	v32 =	vand.u32 $0xFFFF, v38  }
0x14c: {  	v61 =	vshrl.u32 v45, $0x10;
	v25 =	vadd.f32 v31, v25;
	v26 =	vadd.f32 v28, v26  }
0x14d: {  	v51 =	vadd.s32 $0x8, v59;
	v50 =	vshll.u32 v44, $0x3;
	v28 =	vshrl.u32 v40, $0x10;
	v31 =	vld.idx.msk [tilespmem:v46+s12+$0x0], $0xffff  }
0x14e: {  	vm0 =	vgt.s32 v51, $0xC7;
	v39 =	vand.u32 $0x7F, v59;
	v46 =	vshll.u32 v59, $0x3;
	v41 =	vld.idx.msk [tilespmem:v48+s12+$0x0], $0xffff  }
.Ltmp4:
0x14f: {  	v42 =	vadd.s32 $0x4, v59;
	v47 =	vadd.s32 $0x5, v59;
	v54 =	vand.u32 $0xFFFF, v40;
	v33 =	vld.idx.msk [tilespmem:v53+s12+$0x0], $0xffff;
	(pc) =	sbr.rel @p0 .LBB2_11-.Ltmp4, $4  }
0x150: {  	v56 =	vadd.s32 $0x1, v59;
	v55 =	vadd.s32 $0x2, v59;
	v48 =	vand.u32 $0xFFFF, v34;
	v36 =	vld.idx.msk [tilespmem:v32+s12+$0x0], $0xffff  }
0x151: {  	v57 =	vshll.u32 v55, $0x3;
	v40 =	vshrl.u32 v38, $0x10;
	v32 =	vshll.u32 v56, $0x3;
	v38 =	vld.idx.msk [tilespmem:v52+s12+$0x0], $0xffff  }
0x152: {  	v58 =	vshll.u32 v47, $0x3;
	v45 =	vshrl.u32 v60, $0x10;
	v32 =	vand.u32 $0xFFFFFC00, v32;
	v28 =	vld.idx.msk [tilespmem:v28+s12+$0x0], $0xffff  }
0x153: {  	v57 =	vand.u32 $0xFFFFFC00, v57;
	v52 =	vand.u32 $0xFFFF, v60;
	v53 =	vadd.s32 v27, v32;
	v32 =	vld.idx.msk [tilespmem:v61+s12+$0x0], $0xffff  }
0x154: {  	_ = 	snop  }
0x155: {  	v49 =	vand.u32 $0x7F, v56;
	v51 =	vand.u32 $0x7F, v55;
	v50 =	vand.u32 $0xFFFFFC00, v50  }
0x156: {  	v62 =	vadd.s32 v27, v57;
	v44 =	vand.u32 $0x7F, v44;
	v50 =	vadd.s32 v27, v50  }
0x157: {  	v63 =	vand.u32 $0xFFFFFC00, v58;
	v57 =	vshll.u32 v42, $0x3;
	v44 =	vor.u32 v44, v50  }
0x158: {  	v47 =	vand.u32 $0x7F, v47;
	v43 =	vld.idx.msk [tilespmem:v43+s12+$0x0], $0xffff;
	v51 =	vor.u32 v51, v62;
	v58 =	vadd.s32 v27, v63  }
0x159: {  	v46 =	vand.u32 $0xFFFFFC00, v46;
	v50 =	vld.idx.msk [tilespmem:v54+s12+$0x0], $0xffff;
	v54 =	vand.u32 $0xFFFFFC00, v57;
	v47 =	vor.u32 v47, v58  }
0x15a: {  	v60 =	vand.u32 $0x7F, v42;
	v30 =	vld.idx.msk [tilespmem:v30+s2+$0x0], $0xffff;
	v49 =	vor.u32 v49, v53;
	v59 =	vadd.s32 v27, v54  }
0x15b: {  	v29 =	vld.idx.msk [tilespmem:v29+s2+$0x0], $0xffff;
	v27 =	vadd.s32 v27, v46;
	v42 =	vor.u32 v60, v59  }
0x15c: {  	v27 =	vor.u32 v39, v27;
	v39 =	vld.idx.msk [tilespmem:v44+s2+$0x0], $0xffff  }
0x15d: {  	v44 =	vld.idx.msk [tilespmem:v51+s2+$0x0], $0xffff  }
0x15e: {  	v46 =	vld.idx.msk [tilespmem:v47+s2+$0x0], $0xffff  }
0x15f: {  	v61 =	vand.u32 $0xFFFF, v30;
	v47 =	vld.idx.msk [tilespmem:v49+s2+$0x0], $0xffff  }
0x160: {  	v49 =	vand.u32 $0xFFFF, v29;
	v42 =	vld.idx.msk [tilespmem:v42+s2+$0x0], $0xffff  }
0x161: {  	v27 =	vld.idx.msk [tilespmem:v27+s2+$0x0], $0xffff;
	v62 =	vand.u32 $0xFFFF, v39  }
0x162: {  	v48 =	vld.idx.msk [tilespmem:v48+s12+$0x0], $0xffff;
	v54 =	vand.u32 $0xFFFF, v44  }
0x163: {  	v52 =	vld.idx.msk [tilespmem:v52+s12+$0x0], $0xffff;
	v63 =	vand.u32 $0xFFFF, v46  }
0x164: {  	v51 =	vld.idx.msk [tilespmem:v61+s12+$0x0], $0xffff;
	v60 =	vand.u32 $0xFFFF, v47  }
0x165: {  	v49 =	vld.idx.msk [tilespmem:v49+s12+$0x0], $0xffff;
	v61 =	vand.u32 $0xFFFF, v42  }
0x166: {  	v53 =	vld.idx.msk [tilespmem:v62+s12+$0x0], $0xffff;
	v62 =	vand.u32 $0xFFFF, v27  }
0x167: {  	v54 =	vld.idx.msk [tilespmem:v54+s12+$0x0], $0xffff  }
0x168: {  	v55 =	vld.idx.msk [tilespmem:v63+s12+$0x0], $0xffff  }
0x169: {  	v56 =	vld.idx.msk [tilespmem:v60+s12+$0x0], $0xffff  }
0x16a: {  	v57 =	vld.idx.msk [tilespmem:v61+s12+$0x0], $0xffff  }
0x16b: {  	v35 =	vadd.f32 v41, v35;
	v34 =	vshrl.u32 v34, $0x10;
	v33 =	vadd.f32 v33, v36;
	v59 =	vld.idx.msk [tilespmem:v62+s12+$0x0], $0xffff  }
0x16c: {  	v43 =	vadd.f32 v43, v52;
	v30 =	vshrl.u32 v30, $0x10;
	v63 =	vadd.f32 v50, v48  }
0x16d: {  	v40 =	vld.idx.msk [tilespmem:v40+s12+$0x0], $0xffff;
	v29 =	vshrl.u32 v29, $0x10  }
0x16e: {  	v36 =	vld.idx.msk [tilespmem:v37+s12+$0x0], $0xffff;
	v33 =	vadd.f32 v33, v43;
	v39 =	vshrl.u32 v39, $0x10;
	v35 =	vadd.f32 v35, v63  }
0x16f: {  	v37 =	vld.idx.msk [tilespmem:v45+s12+$0x0], $0xffff;
	v60 =	vshrl.u32 v46, $0x10;
	v61 =	vadd.f32 v51, v49;
	v62 =	vadd.f32 v55, v57  }
0x170: {  	v34 =	vld.idx.msk [tilespmem:v34+s12+$0x0], $0xffff;
	v27 =	vshrl.u32 v27, $0x10;
	v55 =	vadd.f32 v53, v54;
	v52 =	vadd.f32 v56, v59  }
0x171: {  	v30 =	vld.idx.msk [tilespmem:v30+s12+$0x0], $0xffff;
	v63 =	vshrl.u32 v47, $0x10;
	v33 =	vadd.f32 v35, v33  }
0x172: {  	v29 =	vld.idx.msk [tilespmem:v29+s12+$0x0], $0xffff;
	v42 =	vshrl.u32 v42, $0x10;
	v43 =	vadd.f32 v61, v62;
	v57 =	vadd.f32 v55, v52  }
0x173: {  	v58 =	vld.idx.msk [tilespmem:v39+s12+$0x0], $0xffff;
	v56 =	vshrl.u32 v44, $0x10  }
0x174: {  	v41 =	vld.idx.msk [tilespmem:v60+s12+$0x0], $0xffff;
	v25 =	vadd.f32 v33, v25;
	v59 =	vadd.f32 v43, v57  }
0x175: {  	v27 =	vld.idx.msk [tilespmem:v27+s12+$0x0], $0xffff  }
0x176: {  	v60 =	vld.idx.msk [tilespmem:v63+s12+$0x0], $0xffff;
	v25 =	vadd.f32 v59, v25  }
0x177: {  	v31 =	vadd.f32 v31, v38;
	v61 =	vld.idx.msk [tilespmem:v42+s12+$0x0], $0xffff  }
0x178: {  	v32 =	vadd.f32 v32, v40;
	v35 =	vld.idx.msk [tilespmem:v56+s12+$0x0], $0xffff;
	v25 =	vadd.f32 v25, v3  }
0x179: {  	v36 =	vadd.f32 v36, v37;
	v28 =	vadd.f32 v28, v34  }
0x17a: {  	v25 =	vsub.f32 $0.0e+00, v25  }
0x17b: {  	v32 =	vadd.f32 v32, v36;
	v28 =	vadd.f32 v31, v28  }
0x17c: {  	v29 =	vadd.f32 v30, v29;
	v27 =	vadd.f32 v60, v27;
	v25 =	vmul.f32 $1.442695020e+00, v25  }
0x17d: {  	v63 =	vadd.f32 v41, v61;
	v62 =	vadd.f32 v58, v35  }
0x17e: {  	v28 =	vadd.f32 v28, v32;
	(erf) = vpow2.f32 v25  }
0x17f: {  	v25 =	vadd.f32 v62, v27;
	v27 =	vadd.f32 v29, v63;
	_ =	sdelay $0x1  }
0x180: {  	v26 =	vadd.f32 v28, v26;
	v25 =	vadd.f32 v27, v25;
	_ =	sdelay $0x1  }
0x181: {  	v25 =	vadd.f32 v25, v26;
	_ =	sdelay $0x1  }
0x182: {  	v25 =	vadd.f32 v25, v3;
	_ =	sdelay $0x1  }
0x183: {  	v25 =	vsub.f32 $0.0e+00, v25;
	v26 =	vpop (erf)  }
0x184: {  	v26 =	vadd.f32 $1.000000000e+00, v26  }
0x185: {  	v25 =	vmul.f32 $1.442695020e+00, v25  }
0x186: {  	(erf) = vrcp.f32 v26  }
0x187: {  	(erf) = vpow2.f32 v25;
	_ =	sdelay $0x7  }
0x188: {  	v25 =	vpop (erf)  }
0x189: {  	v26 =	vpop (erf)  }
0x18a: {  	v26 =	vadd.f32 $1.000000000e+00, v26;
	_ =	sdelay $0x1  }
0x18b: {  	(erf) = vrcp.f32 v26;
	_ =	sdelay $0x3  }
0x18c: {  	s21 =	sadd.s32 $0x1, s21  }
0x18d: {  	p0 =	sne.s32 s21, $0x4  }
.Ltmp5:
0x18e: {  	_ = 	snop;
	(pc) =	sbr.rel @p0 .LBB2_10-.Ltmp5, $3  }
0x18f: {  	_ =	sdelay $0x1  }
0x190: {  	[tilespmem:s22+$0x8500] =	vst v25;
	v25 =	vpop (erf)  }
0x191: {  	[tilespmem:s22+$0x8600] =	vst v25  }
0x192: {  	_ =	swait.ge [sflag:s17], $0x4000  }
0x193: {  	[sflag:s17] =	ssyncset.done $0x0  }
0x194: {  	s21 =	simm.s32 $0x0;
	[sflag:s17] =	ssyncadd.s32 $0xFFFFC000  }
.LBB2_14:
0x195: {  	s22 =	sshll.u32 s21, $0x4  }
0x196: {  	v25 =	vmov s22  }
0x197: {  	v25 =	vshll.u32 v25, $0x8  }
0x198: {  	v25 =	vor.u32 v0, v25  }
0x199: {  	v25 =	vand.u32 $0x3800, v25  }
0x19a: {  	v27 =	vor.u32 v1, v25  }
0x19b: {  	v25 =	vadd.s32 v27, v5  }
0x19c: {  	v26 =	vadd.s32 v27, v7;
	v25 =	vor.u32 v4, v25  }
0x19d: {  	v28 =	vadd.s32 v27, v9;
	v26 =	vor.u32 v6, v26  }
0x19e: {  	v29 =	vadd.s32 v27, v14;
	v28 =	vor.u32 v11, v28  }
0x19f: {  	v30 =	vadd.s32 v27, v10;
	v29 =	vor.u32 v15, v29  }
0x1a0: {  	v30 =	vor.u32 v13, v30  }
0x1a1: {  	v31 =	vld.idx.msk [tilespmem:v25+s15+$0x0], $0xffff  }
0x1a2: {  	v25 =	vadd.s32 v27, v12;
	v26 =	vld.idx.msk [tilespmem:v26+s15+$0x0], $0xffff  }
0x1a3: {  	v33 =	vadd.s32 v27, v20;
	v28 =	vld.idx.msk [tilespmem:v28+s15+$0x0], $0xffff;
	v32 =	vor.u32 v17, v25  }
0x1a4: {  	v33 =	vor.u32 v8, v33;
	v36 =	vld.idx.msk [tilespmem:v29+s15+$0x0], $0xffff;
	v25 =	vadd.s32 v27, v19  }
0x1a5: {  	v38 =	vld.idx.msk [tilespmem:v30+s15+$0x0], $0xffff;
	v34 =	vor.u32 v21, v25  }
0x1a6: {  	v44 =	vadd.s32 $0x3, v16;
	v35 =	vand.u32 $0xFFFF, v31  }
0x1a7: {  	v49 =	vadd.s32 $0xFFFFFF40, v16;
	v45 =	vshrl.u32 v31, $0x10;
	v31 =	vshrl.u32 v26, $0x10  }
0x1a8: {  	v51 =	vadd.s32 $0x8, v16;
	v39 =	vand.u32 $0x7F, v16;
	v26 =	vand.u32 $0xFFFF, v26;
	v32 =	vld.idx.msk [tilespmem:v32+s15+$0x0], $0xffff  }
0x1a9: {  	v46 =	vshll.u32 v16, $0x3;
	v42 =	vadd.s32 $0x4, v16;
	v52 =	vld.idx.msk [tilespmem:v33+s15+$0x0], $0xffff;
	v40 =	vand.u32 $0xFFFF, v36  }
0x1aa: {  	v37 =	vshrl.u32 v28, $0x10;
	v43 =	vand.u32 $0xFFFF, v28;
	v28 =	vand.u32 $0xFFFF, v38;
	v34 =	vld.idx.msk [tilespmem:v34+s15+$0x0], $0xffff  }
0x1ab: {  	v47 =	vadd.s32 $0x5, v16;
	v56 =	vadd.s32 $0x1, v16;
	v55 =	vadd.s32 $0x2, v16;
	v35 =	vld.idx.msk [tilespmem:v35+s12+$0x0], $0xffff  }
0x1ac: {  	v50 =	vshll.u32 v44, $0x3;
	vm0 =	vgt.s32 v51, $0xC7;
	v59 =	vshrl.u32 v36, $0x10;
	v31 =	vld.idx.msk [tilespmem:v31+s12+$0x0], $0xffff  }
0x1ad: {  	v63 =	vshll.u32 v55, $0x3;
	v58 =	vshll.u32 v47, $0x3;
	v41 =	vld.idx.msk [tilespmem:v26+s12+$0x0], $0xffff;
	v53 =	vshrl.u32 v32, $0x10  }
0x1ae: {  	v57 =	vand.u32 $0xFFFFFC00, v63;
	v29 =	vadd.s32 v27, v23;
	v30 =	vadd.s32 v27, v24;
	v33 =	vld.idx.msk [tilespmem:v40+s12+$0x0], $0xffff  }
0x1af: {  	v29 =	vor.u32 v18, v29;
	v30 =	vor.u32 v22, v30;
	v36 =	vld.idx.msk [tilespmem:v28+s12+$0x0], $0xffff;
	v54 =	vand.u32 $0xFFFF, v32  }
0x1b0: {  	v25 =	vimm.f32 $0.0e+00;
	v26 =	vshll.u32 v56, $0x3;
	v40 =	vshrl.u32 v38, $0x10;
	v38 =	vld.idx.msk [tilespmem:v45+s12+$0x0], $0xffff  }
0x1b1: {  	v45 =	vshrl.u32 v52, $0x10;
	v26 =	vand.u32 $0xFFFFFC00, v26;
	v32 =	vld.idx.msk [tilespmem:v59+s12+$0x0], $0xffff;
	v48 =	vand.u32 $0xFFFF, v34  }
0x1b2: {  	s23 =	simm.s32 $0x17;
	v52 =	vand.u32 $0xFFFF, v52;
	v28 =	vld.idx.msk [tilespmem:v53+s12+$0x0], $0xffff;
	v53 =	vadd.s32 v27, v26;
	v26 =	vimm.f32 $0.0e+00  }
.LBB2_15:
0x1b3: {  	p0 =	sne.s32 s23, $0x1;
	s23 =	sadd.s32 $0xFFFFFFFF, s23;
	v56 =	vand.u32 $0x7F, v56;
	v58 =	vand.u32 $0xFFFFFC00, v58;
	v37 =	vld.idx.msk [tilespmem:v37+s12+$0x0], $0xffff;
	v34 =	vshrl.u32 v34, $0x10  }
0x1b4: {  	v55 =	vand.u32 $0x7F, v55;
	v59 =	vsel vm0, v49, v51;
	v49 =	vld.idx.msk [tilespmem:v54+s12+$0x0], $0xffff  }
0x1b5: {  	v50 =	vand.u32 $0xFFFFFC00, v50;
	v51 =	vadd.s32 $0x6, v59;
	v54 =	vadd.s32 $0x7, v59;
	v43 =	vld.idx.msk [tilespmem:v43+s12+$0x0], $0xffff  }
0x1b6: {  	v60 =	vand.u32 $0x7F, v51;
	v61 =	vand.u32 $0x7F, v54;
	v31 =	vadd.f32 v31, v38;
	v48 =	vld.idx.msk [tilespmem:v48+s12+$0x0], $0xffff  }
0x1b7: {  	v44 =	vand.u32 $0x7F, v44;
	v35 =	vadd.f32 v41, v35;
	v38 =	vadd.s32 v27, v57;
	v52 =	vld.idx.msk [tilespmem:v52+s12+$0x0], $0xffff  }
0x1b8: {  	v41 =	vand.u32 $0xFFFFFC00, v46;
	v46 =	vshll.u32 v42, $0x3;
	v38 =	vor.u32 v55, v38;
	v45 =	vld.idx.msk [tilespmem:v45+s12+$0x0], $0xffff  }
0x1b9: {  	v41 =	vadd.s32 v27, v41;
	v53 =	vor.u32 v56, v53;
	v50 =	vadd.s32 v27, v50;
	v55 =	vld.idx.msk [tilespmem:v29+s15+$0x0], $0xffff  }
0x1ba: {  	v29 =	vor.u32 v44, v50;
	v44 =	vand.u32 $0xFFFFFC00, v46;
	v46 =	vand.u32 $0x7F, v47;
	v40 =	vld.idx.msk [tilespmem:v40+s12+$0x0], $0xffff  }
0x1bb: {  	v47 =	vshll.u32 v51, $0x3;
	v50 =	vadd.s32 v27, v58;
	v44 =	vadd.s32 v27, v44;
	v34 =	vld.idx.msk [tilespmem:v34+s12+$0x0], $0xffff  }
0x1bc: {  	v39 =	vor.u32 v39, v41;
	v41 =	vand.u32 $0x7F, v42;
	v42 =	vadd.f32 v49, v48;
	v30 =	vld.idx.msk [tilespmem:v30+s15+$0x0], $0xffff  }
0x1bd: {  	v41 =	vor.u32 v41, v44;
	v44 =	vor.u32 v46, v50;
	v43 =	vadd.f32 v43, v52  }
0x1be: {  	v46 =	vand.u32 $0xFFFFFC00, v47;
	v42 =	vadd.f32 v35, v42;
	v35 =	vadd.f32 v37, v45;
	v47 =	vld.idx.msk [tilespmem:v53+s15+$0x0], $0xffff  }
0x1bf: {  	v33 =	vadd.f32 v33, v36;
	v37 =	vadd.s32 v27, v46;
	v52 =	vshrl.u32 v55, $0x10;
	v45 =	vld.idx.msk [tilespmem:v29+s15+$0x0], $0xffff  }
0x1c0: {  	v36 =	vand.u32 $0xFFFF, v55;
	v29 =	vor.u32 v60, v37;
	v32 =	vadd.f32 v32, v40;
	v38 =	vld.idx.msk [tilespmem:v38+s15+$0x0], $0xffff  }
0x1c1: {  	v33 =	vadd.f32 v33, v43;
	v37 =	vshll.u32 v54, $0x3;
	v28 =	vadd.f32 v28, v34  }
0x1c2: {  	v34 =	vand.u32 $0xFFFFFC00, v37;
	v46 =	vshrl.u32 v30, $0x10;
	v48 =	vand.u32 $0xFFFF, v30;
	v40 =	vld.idx.msk [tilespmem:v44+s15+$0x0], $0xffff  }
0x1c3: {  	v30 =	vadd.s32 v27, v34;
	v32 =	vadd.f32 v32, v35;
	v28 =	vadd.f32 v31, v28;
	v34 =	vld.idx.msk [tilespmem:v41+s15+$0x0], $0xffff  }
0x1c4: {  	v30 =	vor.u32 v61, v30;
	v37 =	vshrl.u32 v47, $0x10;
	v43 =	vand.u32 $0xFFFF, v47;
	v60 =	vld.idx.msk [tilespmem:v39+s15+$0x0], $0xffff  }
0x1c5: {  	v31 =	vadd.f32 v42, v33;
	v53 =	vand.u32 $0xFFFF, v45;
	v28 =	vadd.f32 v28, v32;
	v35 =	vld.idx.msk [tilespmem:v36+s12+$0x0], $0xffff  }
0x1c6: {  	v49 =	vadd.s32 $0xFFFFFF40, v59;
	v44 =	vadd.s32 $0x3, v59;
	v32 =	vand.u32 $0xFFFF, v38  }
0x1c7: {  	v61 =	vshrl.u32 v45, $0x10;
	v25 =	vadd.f32 v31, v25;
	v26 =	vadd.f32 v28, v26  }
0x1c8: {  	v51 =	vadd.s32 $0x8, v59;
	v50 =	vshll.u32 v44, $0x3;
	v28 =	vshrl.u32 v40, $0x10;
	v31 =	vld.idx.msk [tilespmem:v46+s12+$0x0], $0xffff  }
0x1c9: {  	vm0 =	vgt.s32 v51, $0xC7;
	v39 =	vand.u32 $0x7F, v59;
	v46 =	vshll.u32 v59, $0x3;
	v41 =	vld.idx.msk [tilespmem:v48+s12+$0x0], $0xffff  }
.Ltmp6:
0x1ca: {  	v42 =	vadd.s32 $0x4, v59;
	v47 =	vadd.s32 $0x5, v59;
	v54 =	vand.u32 $0xFFFF, v40;
	v33 =	vld.idx.msk [tilespmem:v53+s12+$0x0], $0xffff;
	(pc) =	sbr.rel @p0 .LBB2_15-.Ltmp6, $4  }
0x1cb: {  	v56 =	vadd.s32 $0x1, v59;
	v55 =	vadd.s32 $0x2, v59;
	v48 =	vand.u32 $0xFFFF, v34;
	v36 =	vld.idx.msk [tilespmem:v32+s12+$0x0], $0xffff  }
0x1cc: {  	v57 =	vshll.u32 v55, $0x3;
	v40 =	vshrl.u32 v38, $0x10;
	v32 =	vshll.u32 v56, $0x3;
	v38 =	vld.idx.msk [tilespmem:v52+s12+$0x0], $0xffff  }
0x1cd: {  	v58 =	vshll.u32 v47, $0x3;
	v45 =	vshrl.u32 v60, $0x10;
	v32 =	vand.u32 $0xFFFFFC00, v32;
	v28 =	vld.idx.msk [tilespmem:v28+s12+$0x0], $0xffff  }
0x1ce: {  	v57 =	vand.u32 $0xFFFFFC00, v57;
	v52 =	vand.u32 $0xFFFF, v60;
	v53 =	vadd.s32 v27, v32;
	v32 =	vld.idx.msk [tilespmem:v61+s12+$0x0], $0xffff  }
0x1cf: {  	_ = 	snop  }
0x1d0: {  	v49 =	vand.u32 $0x7F, v56;
	v51 =	vand.u32 $0x7F, v55;
	v50 =	vand.u32 $0xFFFFFC00, v50  }
0x1d1: {  	v62 =	vadd.s32 v27, v57;
	v44 =	vand.u32 $0x7F, v44;
	v50 =	vadd.s32 v27, v50  }
0x1d2: {  	v63 =	vand.u32 $0xFFFFFC00, v58;
	v57 =	vshll.u32 v42, $0x3;
	v44 =	vor.u32 v44, v50  }
0x1d3: {  	v47 =	vand.u32 $0x7F, v47;
	v43 =	vld.idx.msk [tilespmem:v43+s12+$0x0], $0xffff;
	v51 =	vor.u32 v51, v62;
	v58 =	vadd.s32 v27, v63  }
0x1d4: {  	v46 =	vand.u32 $0xFFFFFC00, v46;
	v50 =	vld.idx.msk [tilespmem:v54+s12+$0x0], $0xffff;
	v54 =	vand.u32 $0xFFFFFC00, v57;
	v47 =	vor.u32 v47, v58  }
0x1d5: {  	v60 =	vand.u32 $0x7F, v42;
	v30 =	vld.idx.msk [tilespmem:v30+s15+$0x0], $0xffff;
	v49 =	vor.u32 v49, v53;
	v59 =	vadd.s32 v27, v54  }
0x1d6: {  	v29 =	vld.idx.msk [tilespmem:v29+s15+$0x0], $0xffff;
	v27 =	vadd.s32 v27, v46;
	v42 =	vor.u32 v60, v59  }
0x1d7: {  	v27 =	vor.u32 v39, v27;
	v39 =	vld.idx.msk [tilespmem:v44+s15+$0x0], $0xffff  }
0x1d8: {  	v44 =	vld.idx.msk [tilespmem:v51+s15+$0x0], $0xffff  }
0x1d9: {  	v46 =	vld.idx.msk [tilespmem:v47+s15+$0x0], $0xffff  }
0x1da: {  	v61 =	vand.u32 $0xFFFF, v30;
	v47 =	vld.idx.msk [tilespmem:v49+s15+$0x0], $0xffff  }
0x1db: {  	v49 =	vand.u32 $0xFFFF, v29;
	v42 =	vld.idx.msk [tilespmem:v42+s15+$0x0], $0xffff  }
0x1dc: {  	v27 =	vld.idx.msk [tilespmem:v27+s15+$0x0], $0xffff;
	v62 =	vand.u32 $0xFFFF, v39  }
0x1dd: {  	v48 =	vld.idx.msk [tilespmem:v48+s12+$0x0], $0xffff;
	v54 =	vand.u32 $0xFFFF, v44  }
0x1de: {  	v52 =	vld.idx.msk [tilespmem:v52+s12+$0x0], $0xffff;
	v63 =	vand.u32 $0xFFFF, v46  }
0x1df: {  	v51 =	vld.idx.msk [tilespmem:v61+s12+$0x0], $0xffff;
	v60 =	vand.u32 $0xFFFF, v47  }
0x1e0: {  	v49 =	vld.idx.msk [tilespmem:v49+s12+$0x0], $0xffff;
	v61 =	vand.u32 $0xFFFF, v42  }
0x1e1: {  	v53 =	vld.idx.msk [tilespmem:v62+s12+$0x0], $0xffff;
	v62 =	vand.u32 $0xFFFF, v27  }
0x1e2: {  	v54 =	vld.idx.msk [tilespmem:v54+s12+$0x0], $0xffff  }
0x1e3: {  	v55 =	vld.idx.msk [tilespmem:v63+s12+$0x0], $0xffff  }
0x1e4: {  	v56 =	vld.idx.msk [tilespmem:v60+s12+$0x0], $0xffff  }
0x1e5: {  	v57 =	vld.idx.msk [tilespmem:v61+s12+$0x0], $0xffff  }
0x1e6: {  	v35 =	vadd.f32 v41, v35;
	v34 =	vshrl.u32 v34, $0x10;
	v33 =	vadd.f32 v33, v36;
	v59 =	vld.idx.msk [tilespmem:v62+s12+$0x0], $0xffff  }
0x1e7: {  	v43 =	vadd.f32 v43, v52;
	v30 =	vshrl.u32 v30, $0x10;
	v63 =	vadd.f32 v50, v48  }
0x1e8: {  	v40 =	vld.idx.msk [tilespmem:v40+s12+$0x0], $0xffff;
	v29 =	vshrl.u32 v29, $0x10  }
0x1e9: {  	v36 =	vld.idx.msk [tilespmem:v37+s12+$0x0], $0xffff;
	v33 =	vadd.f32 v33, v43;
	v39 =	vshrl.u32 v39, $0x10;
	v35 =	vadd.f32 v35, v63  }
0x1ea: {  	v37 =	vld.idx.msk [tilespmem:v45+s12+$0x0], $0xffff;
	v60 =	vshrl.u32 v46, $0x10;
	v61 =	vadd.f32 v51, v49;
	v62 =	vadd.f32 v55, v57  }
0x1eb: {  	v34 =	vld.idx.msk [tilespmem:v34+s12+$0x0], $0xffff;
	v27 =	vshrl.u32 v27, $0x10;
	v55 =	vadd.f32 v53, v54;
	v52 =	vadd.f32 v56, v59  }
0x1ec: {  	v30 =	vld.idx.msk [tilespmem:v30+s12+$0x0], $0xffff;
	v63 =	vshrl.u32 v47, $0x10;
	v33 =	vadd.f32 v35, v33  }
0x1ed: {  	v29 =	vld.idx.msk [tilespmem:v29+s12+$0x0], $0xffff;
	v42 =	vshrl.u32 v42, $0x10;
	v43 =	vadd.f32 v61, v62;
	v57 =	vadd.f32 v55, v52  }
0x1ee: {  	v58 =	vld.idx.msk [tilespmem:v39+s12+$0x0], $0xffff;
	v56 =	vshrl.u32 v44, $0x10  }
0x1ef: {  	v41 =	vld.idx.msk [tilespmem:v60+s12+$0x0], $0xffff;
	v25 =	vadd.f32 v33, v25;
	v59 =	vadd.f32 v43, v57  }
0x1f0: {  	v27 =	vld.idx.msk [tilespmem:v27+s12+$0x0], $0xffff  }
0x1f1: {  	v60 =	vld.idx.msk [tilespmem:v63+s12+$0x0], $0xffff;
	v25 =	vadd.f32 v59, v25  }
0x1f2: {  	v31 =	vadd.f32 v31, v38;
	v61 =	vld.idx.msk [tilespmem:v42+s12+$0x0], $0xffff  }
0x1f3: {  	v32 =	vadd.f32 v32, v40;
	v35 =	vld.idx.msk [tilespmem:v56+s12+$0x0], $0xffff;
	v25 =	vadd.f32 v25, v3  }
0x1f4: {  	v36 =	vadd.f32 v36, v37;
	v28 =	vadd.f32 v28, v34  }
0x1f5: {  	v25 =	vsub.f32 $0.0e+00, v25  }
0x1f6: {  	v32 =	vadd.f32 v32, v36;
	v28 =	vadd.f32 v31, v28  }
0x1f7: {  	v29 =	vadd.f32 v30, v29;
	v27 =	vadd.f32 v60, v27;
	v25 =	vmul.f32 $1.442695020e+00, v25  }
0x1f8: {  	v63 =	vadd.f32 v41, v61;
	v62 =	vadd.f32 v58, v35  }
0x1f9: {  	v28 =	vadd.f32 v28, v32;
	(erf) = vpow2.f32 v25  }
0x1fa: {  	v25 =	vadd.f32 v62, v27;
	v27 =	vadd.f32 v29, v63;
	_ =	sdelay $0x1  }
0x1fb: {  	v26 =	vadd.f32 v28, v26;
	v25 =	vadd.f32 v27, v25;
	_ =	sdelay $0x1  }
0x1fc: {  	v25 =	vadd.f32 v25, v26;
	_ =	sdelay $0x1  }
0x1fd: {  	v25 =	vadd.f32 v25, v3;
	_ =	sdelay $0x1  }
0x1fe: {  	v25 =	vsub.f32 $0.0e+00, v25;
	v26 =	vpop (erf)  }
0x1ff: {  	v26 =	vadd.f32 $1.000000000e+00, v26  }
0x200: {  	v25 =	vmul.f32 $1.442695020e+00, v25  }
0x201: {  	(erf) = vrcp.f32 v26  }
0x202: {  	(erf) = vpow2.f32 v25;
	_ =	sdelay $0x7  }
0x203: {  	v25 =	vpop (erf)  }
0x204: {  	v26 =	vpop (erf)  }
0x205: {  	v26 =	vadd.f32 $1.000000000e+00, v26;
	_ =	sdelay $0x1  }
0x206: {  	(erf) = vrcp.f32 v26;
	_ =	sdelay $0x3  }
0x207: {  	s21 =	sadd.s32 $0x1, s21  }
0x208: {  	p0 =	sne.s32 s21, $0x4  }
.Ltmp7:
0x209: {  	_ = 	snop;
	(pc) =	sbr.rel @p0 .LBB2_14-.Ltmp7, $3  }
0x20a: {  	_ =	sdelay $0x1  }
0x20b: {  	[tilespmem:s22+$0x8540] =	vst v25;
	v25 =	vpop (erf)  }
0x20c: {  	[tilespmem:s22+$0x8640] =	vst v25  }
0x20d: {  	[hbm4b:s8+s2] =	stream.linear.scatter [tilespmem:s18], [sflag:$0x3], $0x100, $0x38;
	[tilespmem:$0x8680] =	vst v63  }
0x20e: {  	s20 =	sadd.s32 $0x1, s20;
	_ =	swait.ge [sflag:s13], $0x100  }
0x20f: {  	p0 =	sne.s32 s20, s11;
	[sflag:s13] =	ssyncset.done $0x0  }
.Ltmp8:
0x210: {  	[sflag:s13] =	ssyncadd.s32 $0xFFFFFF00;
	(pc) =	sbr.rel @p0 .LBB2_1-.Ltmp8, $4  }
0x211: {  	[hbm4b:s10+s2] =	stream.linear.scatter [tilespmem:s19], [sflag:$0x3], $0x100, $0x38;
	[tilespmem:$0x8680] =	vst v63  }
0x212: {  	_ =	swait.ge [sflag:s13], $0x100  }
0x213: {  	[sflag:s13] =	ssyncset.done $0x0  }
0x214: {  	[sflag:s13] =	ssyncadd.s32 $0xFFFFFF00  }
0x215: {  	_ =	sfence.sel $0x180000  }
0x216: {  	[bflag:$0x0] =	sbarrier.arrive $0xFFFF  }
0x217: {  	p0 =	sne.s32 s0, $0x0;
	_ =	strace $0x90000047  }
0x218: {  	s0 =	sadd.s32 @!p0 $0x100000, s1;
	[bflag:$0x2] =	sbarrier.arrive $0xFFFF  }
0x219: {  	[sflag:s0] =	ssyncadd.tile.s32 @!p0 $0x1;
	_ =	shalt  }
.Lfunc_end2:
_tile_overlayer_lowered:
.L_overlay_start_2:
0x21a: {  	(tag) =	ssettag $0x2  }
0x21b: {  	s0 =	rddreg [dreg:$0x0];
	s2 =	stileid.u32  }
0x21c: {  	s1 =	rddreg [dreg:$0x1];
	p0 =	sne.s32 s2, $0x0  }
0x21d: {  	s3 =	rddreg [dreg:$0x2];
	[bflag:$0x3] =	sbarrier.arrive $0xFFFF;
	s2 =	simm.s32 @!p0 $0x1C03  }
0x21e: {  	[timem:s3], [sflag:s2] =	dma.local @!p0 [hbm:s0], s1  }
0x21f: {  	s0 =	simm.s32 @!p0 $0x3  }
0x220: {  	_ =	swait.ge @!p0 [sflag:s0], s1  }
0x221: {  	s1 =	ssub.s32 @!p0 $0x0, s1;
	[sflag:s0] =	ssyncset.done @!p0 $0x0  }
0x222: {  	[sflag:s0] =	ssyncadd.s32 @!p0 s1  }
0x223: {  	[bflag:$0x3] =	sbarrier.arrive $0xFFFF  }
0x224: {  	_ =	shalt  }

</sc_bundles>
